<compile_context>
chip_gen: v7x
topology: tpu7x:2x2x1
jax: 0.10.2.dev20260603
libtpu: 0.0.44.dev20260713+nightly
codegen_flags: <defaults>
</compile_context>

<pallas_src>
import functools

import jax
import jax.numpy as jnp
from jax import lax
from jax.experimental import pallas as pl
from jax.experimental.pallas import tpu as pltpu
from jax.experimental.pallas import tpu_sc as plsc

NUM_SEGMENTS = 10000
ROWS = 320000
D = 128
NC = 2
NS = 16
GROUP = 128
NGROUPS = ROWS // GROUP

TC_GROUPS = 704
SC_GROUPS = NGROUPS - TC_GROUPS
GROUPS_PER_CORE = SC_GROUPS // NC
BASE_GROUPS = GROUPS_PER_CORE // NS
EXTRA_TILES = GROUPS_PER_CORE % NS
SEG_PER_TILE = 624
SEG_TAIL = NUM_SEGMENTS - NS * SEG_PER_TILE

_mesh = plsc.VectorSubcoreMesh(
    core_axis_name="c", subcore_axis_name="s", num_cores=NC, num_subcores=NS
)


@functools.partial(
    pl.kernel,
    out_type=jax.ShapeDtypeStruct((NC, NUM_SEGMENTS, D), jnp.float32),
    mesh=_mesh,
    scratch_types=[
        pltpu.VMEM((3, GROUP), jnp.int32),
        pltpu.VMEM((3, GROUP, D), jnp.float32),
        pltpu.VMEM_SHARED((NUM_SEGMENTS, D), jnp.float32),
        pltpu.SemaphoreType.DMA((3,)),
        pltpu.SemaphoreType.DMA((3,)),
    ],
)
def _segment_sum_sc(x_hbm, idx_hbm, zeros_hbm, part_hbm, idx_v, x_v, acc,
                    isem, xsem):
    c = lax.axis_index("c")
    s = lax.axis_index("s")

    n_groups = BASE_GROUPS + jnp.where(s < EXTRA_TILES, 1, 0)
    g0 = (TC_GROUPS + GROUPS_PER_CORE * c
          + BASE_GROUPS * s + jnp.minimum(s, EXTRA_TILES))

    def start_loads(i, b):
        g = g0 + i
        pltpu.async_copy(
            idx_hbm.at[pl.ds(g * GROUP, GROUP)], idx_v.at[b], isem.at[b]
        )
        pltpu.async_copy(
            x_hbm.at[pl.ds(g * GROUP, GROUP)], x_v.at[b], xsem.at[b]
        )

    def wait_loads(b):
        pltpu.make_async_copy(
            idx_hbm.at[pl.ds(0, GROUP)], idx_v.at[b], isem.at[b]
        ).wait()
        pltpu.make_async_copy(
            x_hbm.at[pl.ds(0, GROUP)], x_v.at[b], xsem.at[b]
        ).wait()

    start_loads(0, 0)
    start_loads(1, 1)
    start_loads(2, 2)

    pltpu.sync_copy(
        zeros_hbm.at[pl.ds(s * SEG_PER_TILE, SEG_PER_TILE)],
        acc.at[pl.ds(s * SEG_PER_TILE, SEG_PER_TILE)],
    )

    @pl.when(s == NS - 1)
    def _zero_tail():
        pltpu.sync_copy(
            zeros_hbm.at[pl.ds(NS * SEG_PER_TILE, SEG_TAIL)],
            acc.at[pl.ds(NS * SEG_PER_TILE, SEG_TAIL)],
        )

    plsc.subcore_barrier()

    def body(i, carry):
        b = lax.rem(i, 3)
        wait_loads(b)
        pltpu.sync_copy(x_v.at[b], acc.at[idx_v.at[b]], add=True)
        start_loads(i + 3, b)
        return carry

    lax.fori_loop(0, n_groups - 3, body, 0)

    def tail_body(i, carry):
        b = lax.rem(i, 3)
        wait_loads(b)
        pltpu.sync_copy(x_v.at[b], acc.at[idx_v.at[b]], add=True)
        return carry

    lax.fori_loop(n_groups - 3, n_groups, tail_body, 0)
    plsc.subcore_barrier()

    pltpu.sync_copy(
        acc.at[pl.ds(s * SEG_PER_TILE, SEG_PER_TILE)],
        part_hbm.at[c, pl.ds(s * SEG_PER_TILE, SEG_PER_TILE)],
    )

    @pl.when(s == NS - 1)
    def _write_tail():
        pltpu.sync_copy(
            acc.at[pl.ds(NS * SEG_PER_TILE, SEG_TAIL)],
            part_hbm.at[c, pl.ds(NS * SEG_PER_TILE, SEG_TAIL)],
        )


W = 64
TC_PAD = NUM_SEGMENTS + W + 128
TC_STEP_GROUPS = 8
TC_STEPS = TC_GROUPS // TC_STEP_GROUPS
TC_STEP_ROWS = TC_STEP_GROUPS * GROUP


def _tc_seg_body(base_ref, nwin_ref, idx_ref, x_ref, acc_ref):
    i = pl.program_id(0)

    @pl.when(i == 0)
    def _zero():
        acc_ref[...] = jnp.zeros((TC_PAD, D), jnp.float32)

    base0 = base_ref[i]
    nwin = nwin_ref[i]

    def win(w, carry):
        base = pl.multiple_of(base0 + w * W, 8)
        contrib = jnp.zeros((W, D), jnp.float32)
        for sb in range(TC_STEP_GROUPS):
            loc = idx_ref[sb] - base
            oh = (
                lax.broadcasted_iota(jnp.int32, (W, GROUP), 0) == loc
            ).astype(jnp.bfloat16)
            xsb = x_ref[pl.ds(sb * GROUP, GROUP), :].astype(jnp.bfloat16)
            contrib += jnp.dot(oh, xsb, preferred_element_type=jnp.float32)
        acc_ref[pl.ds(base, W), :] += contrib
        return carry

    lax.fori_loop(0, nwin, win, 0)


_tc_seg = pl.pallas_call(
    _tc_seg_body,
    grid=(TC_STEPS,),
    in_specs=[
        pl.BlockSpec(memory_space=pltpu.SMEM),
        pl.BlockSpec(memory_space=pltpu.SMEM),
        pl.BlockSpec((TC_STEP_GROUPS, 1, GROUP), lambda i: (i, 0, 0)),
        pl.BlockSpec((TC_STEP_ROWS, D), lambda i: (i, 0)),
    ],
    out_specs=pl.BlockSpec((TC_PAD, D), lambda i: (0, 0)),
    out_shape=jax.ShapeDtypeStruct((TC_PAD, D), jnp.float32),
)


ROWS_PER_BLOCK = 2000


def _combine_body(scale_ref, part_ref, ptc_ref, out_ref):
    out_ref[...] = (part_ref[0] + part_ref[1] + ptc_ref[...]) * scale_ref[0]


_combine = pl.pallas_call(
    _combine_body,
    grid=(NUM_SEGMENTS // ROWS_PER_BLOCK,),
    in_specs=[
        pl.BlockSpec(memory_space=pltpu.SMEM),
        pl.BlockSpec((NC, ROWS_PER_BLOCK, D), lambda i: (0, i, 0)),
        pl.BlockSpec((ROWS_PER_BLOCK, D), lambda i: (i, 0)),
    ],
    out_specs=pl.BlockSpec((ROWS_PER_BLOCK, D), lambda i: (i, 0)),
    out_shape=jax.ShapeDtypeStruct((NUM_SEGMENTS, D), jnp.float32),
)


def kernel(x, index, dim_size):
    idx32 = index.astype(jnp.int32)
    idx3d = idx32.reshape(NGROUPS, 1, GROUP)
    smin = idx32[0:TC_GROUPS * GROUP:TC_STEP_ROWS]
    smax = idx32[TC_STEP_ROWS - 1:TC_GROUPS * GROUP:TC_STEP_ROWS]
    sbase = (smin // 8) * 8
    snwin = (smax - sbase) // W + 1
    zeros = jnp.zeros((NUM_SEGMENTS, D), jnp.float32)
    partials = _segment_sum_sc(x, idx32, zeros)
    part_tc = _tc_seg(sbase, snwin, idx3d, x)
    scale = jnp.asarray(dim_size == NUM_SEGMENTS, jnp.float32).reshape((1,))
    return _combine(scale, partials, part_tc)

# --- scband reference (transcript-rebuilt; emitter-appended) ---
"""Pipeline reference for scband-aggregation-16587163697587 (READ-ONLY COPY).

The authoritative reference and input builder live on the scoring server;
editing this copy changes nothing except your own understanding.
"""

import jax, jax.numpy as jnp
import numpy as np


def setup_inputs(seed: int = 0) -> dict:
    key = jax.random.key(seed)
    k1, k2 = jax.random.split(key)
    x = jax.random.normal(k1, (320000, 128), dtype=jnp.float32)
    index = jnp.sort(jax.random.randint(k2, (320000,), 0, 10000, dtype=jnp.int64))
    return {"x": x, "index": index, "dim_size": 10000}


def reference(x, index, dim_size):
    # PyG Aggregation (sum reduce) over first dim: scatter-add rows of x into
    # dim_size output slots according to (sorted) segment index vector.
    num_segments = 10000
    out = jax.ops.segment_sum(x, index, num_segments=num_segments)
    out = out * jnp.asarray(dim_size == num_segments, out.dtype)
    return out

if __name__ == "__main__":
    import jax
    _d = setup_inputs()
    print(jax.jit(kernel)(*tuple(_d.values())))

</pallas_src>

<mosaic_0001>
#map = affine_map<(d0, d1) -> (0, 0)>
#map1 = affine_map<(d0, d1) -> (0)>
#map2 = affine_map<(d0, d1) -> (0, 0, 0)>
module attributes {stable_mosaic.version = 14 : i64} {
  func.func @_segment_sum_sc(%arg0: i32, %arg1: i32, %arg2: memref<320000x128xf32, #tpu.memory_space<hbm>>, %arg3: memref<320000xi32, #tpu.memory_space<hbm>>, %arg4: memref<10000x128xf32, #tpu.memory_space<hbm>>, %arg5: memref<2x10000x128xf32, #tpu.memory_space<hbm>>, %arg6: memref<3x128xi32, #tpu.memory_space<vmem>>, %arg7: memref<3x128x128xf32, #tpu.memory_space<vmem>>, %arg8: memref<10000x128xf32, #tpu.memory_space<vmem_shared>>, %arg9: memref<3x!tpu.dma_semaphore, #tpu.memory_space<semaphore_mem>>, %arg10: memref<3x!tpu.dma_semaphore, #tpu.memory_space<semaphore_mem>>) attributes {dimension_semantics = [#tpu.dimension_semantics<core_parallel>, #tpu.dimension_semantics<subcore_parallel>], iteration_bounds = array<i64: 2, 16>, scalar_prefetch = 0 : i64, scratch_operands = 5 : i64, tpu.core_type = #tpu.core_type<sc_vector_subcore>, window_params = [{transform_indices = #map}, {transform_indices = #map1}, {transform_indices = #map}, {transform_indices = #map2}]} {
    %lt3A = arith.constant 2 : i32
    %lt3A_0 = arith.cmpi slt, %arg1, %lt3A : i32
    %jit3A = arith.constant 1 : i32
    %jit3A_1 = arith.constant 0 : i32
    %select_n3A = arith.select %lt3A_0, %jit3A, %jit3A_1 : i32
    %add3A = arith.constant 56 : i32
    %add3A_2 = arith.addi %add3A, %select_n3A : i32
    %mul3A = arith.constant 898 : i32
    %mul3A_3 = arith.muli %mul3A, %arg0 : i32
    %add3A_4 = arith.constant 704 : i32
    %add3A_5 = arith.addi %add3A_4, %mul3A_3 : i32
    %mul3A_6 = arith.constant 56 : i32
    %mul3A_7 = arith.muli %mul3A_6, %arg1 : i32
    %add3A_8 = arith.addi %add3A_5, %mul3A_7 : i32
    %min3A = arith.constant 2 : i32
    %min3A_9 = arith.minsi %arg1, %min3A : i32
    %add3A_10 = arith.addi %add3A_8, %min3A_9 : i32
    %add3A_11 = arith.constant 0 : i32
    %add3A_12 = arith.addi %add3A_10, %add3A_11 : i32
    %mul3A_13 = arith.constant 128 : i32
    %mul3A_14 = arith.muli %add3A_12, %mul3A_13 : i32
    %dma_start3A = arith.constant 0 : i32
    %dma_start3A_15 = arith.constant 0 : i32
    %dma_start3A_16 = arith.constant 0 : i32
    %dma_start3A_17 = tpu.memref_slice %arg6[%dma_start3A, %dma_start3A_16] : memref<3x128xi32, #tpu.memory_space<vmem>> -> memref<1x128xi32, #tpu.memory_space<vmem>>
    %dma_start3A_18 = tpu.memref_squeeze %dma_start3A_17 : memref<1x128xi32, #tpu.memory_space<vmem>> -> memref<128xi32, #tpu.memory_space<vmem>>
    %dma_start3A_19 = tpu.memref_slice %arg3[%mul3A_14] : memref<320000xi32, #tpu.memory_space<hbm>> -> memref<128xi32, #tpu.memory_space<hbm>>
    %dma_start3A_20 = tpu.memref_slice %arg9[%dma_start3A_15] : memref<3x!tpu.dma_semaphore, #tpu.memory_space<semaphore_mem>> -> memref<1x!tpu.dma_semaphore, #tpu.memory_space<semaphore_mem>>
    %dma_start3A_21 = tpu.memref_squeeze %dma_start3A_20 : memref<1x!tpu.dma_semaphore, #tpu.memory_space<semaphore_mem>> -> memref<!tpu.dma_semaphore, #tpu.memory_space<semaphore_mem>>
    %dma_start3A_22 = arith.constant 0 : i32
    %dma_start3A_23 = tpu.memref_slice %arg6[%dma_start3A, %dma_start3A_22] : memref<3x128xi32, #tpu.memory_space<vmem>> -> memref<1x128xi32, #tpu.memory_space<vmem>>
    %dma_start3A_24 = tpu.memref_squeeze %dma_start3A_23 : memref<1x128xi32, #tpu.memory_space<vmem>> -> memref<128xi32, #tpu.memory_space<vmem>>
    %dma_start3A_25 = tpu.memref_slice %arg3[%mul3A_14] : memref<320000xi32, #tpu.memory_space<hbm>> -> memref<128xi32, #tpu.memory_space<hbm>>
    tpu.enqueue_dma source(%dma_start3A_25 : memref<128xi32, #tpu.memory_space<hbm>>) target(%dma_start3A_24 : memref<128xi32, #tpu.memory_space<vmem>>) target_semaphore(%dma_start3A_21 : memref<!tpu.dma_semaphore, #tpu.memory_space<semaphore_mem>>)
    %mul3A_26 = arith.constant 128 : i32
    %mul3A_27 = arith.muli %add3A_12, %mul3A_26 : i32
    %dma_start3A_28 = arith.constant 0 : i32
    %dma_start3A_29 = arith.constant 0 : i32
    %dma_start3A_30 = arith.constant 0 : i32
    %dma_start3A_31 = arith.constant 0 : i32
    %dma_start3A_32 = tpu.memref_slice %arg7[%dma_start3A_28, %dma_start3A_30, %dma_start3A_31] : memref<3x128x128xf32, #tpu.memory_space<vmem>> -> memref<1x128x128xf32, #tpu.memory_space<vmem>>
    %dma_start3A_33 = tpu.memref_squeeze %dma_start3A_32 : memref<1x128x128xf32, #tpu.memory_space<vmem>> -> memref<128x128xf32, #tpu.memory_space<vmem>>
    %dma_start3A_34 = arith.constant 0 : i32
    %dma_start3A_35 = tpu.memref_slice %arg2[%mul3A_27, %dma_start3A_34] : memref<320000x128xf32, #tpu.memory_space<hbm>> -> memref<128x128xf32, #tpu.memory_space<hbm>>
    %dma_start3A_36 = tpu.memref_slice %arg10[%dma_start3A_29] : memref<3x!tpu.dma_semaphore, #tpu.memory_space<semaphore_mem>> -> memref<1x!tpu.dma_semaphore, #tpu.memory_space<semaphore_mem>>
    %dma_start3A_37 = tpu.memref_squeeze %dma_start3A_36 : memref<1x!tpu.dma_semaphore, #tpu.memory_space<semaphore_mem>> -> memref<!tpu.dma_semaphore, #tpu.memory_space<semaphore_mem>>
    %dma_start3A_38 = arith.constant 0 : i32
    %dma_start3A_39 = arith.constant 0 : i32
    %dma_start3A_40 = tpu.memref_slice %arg7[%dma_start3A_28, %dma_start3A_38, %dma_start3A_39] : memref<3x128x128xf32, #tpu.memory_space<vmem>> -> memref<1x128x128xf32, #tpu.memory_space<vmem>>
    %dma_start3A_41 = tpu.memref_squeeze %dma_start3A_40 : memref<1x128x128xf32, #tpu.memory_space<vmem>> -> memref<128x128xf32, #tpu.memory_space<vmem>>
    %dma_start3A_42 = arith.constant 0 : i32
    %dma_start3A_43 = tpu.memref_slice %arg2[%mul3A_27, %dma_start3A_42] : memref<320000x128xf32, #tpu.memory_space<hbm>> -> memref<128x128xf32, #tpu.memory_space<hbm>>
    tpu.enqueue_dma source(%dma_start3A_43 : memref<128x128xf32, #tpu.memory_space<hbm>>) target(%dma_start3A_41 : memref<128x128xf32, #tpu.memory_space<vmem>>) target_semaphore(%dma_start3A_37 : memref<!tpu.dma_semaphore, #tpu.memory_space<semaphore_mem>>)
    %add3A_44 = arith.constant 1 : i32
    %add3A_45 = arith.addi %add3A_10, %add3A_44 : i32
    %mul3A_46 = arith.constant 128 : i32
    %mul3A_47 = arith.muli %add3A_45, %mul3A_46 : i32
    %dma_start3A_48 = arith.constant 1 : i32
    %dma_start3A_49 = arith.constant 1 : i32
    %dma_start3A_50 = arith.constant 0 : i32
    %dma_start3A_51 = tpu.memref_slice %arg6[%dma_start3A_48, %dma_start3A_50] : memref<3x128xi32, #tpu.memory_space<vmem>> -> memref<1x128xi32, #tpu.memory_space<vmem>>
    %dma_start3A_52 = tpu.memref_squeeze %dma_start3A_51 : memref<1x128xi32, #tpu.memory_space<vmem>> -> memref<128xi32, #tpu.memory_space<vmem>>
    %dma_start3A_53 = tpu.memref_slice %arg3[%mul3A_47] : memref<320000xi32, #tpu.memory_space<hbm>> -> memref<128xi32, #tpu.memory_space<hbm>>
    %dma_start3A_54 = tpu.memref_slice %arg9[%dma_start3A_49] : memref<3x!tpu.dma_semaphore, #tpu.memory_space<semaphore_mem>> -> memref<1x!tpu.dma_semaphore, #tpu.memory_space<semaphore_mem>>
    %dma_start3A_55 = tpu.memref_squeeze %dma_start3A_54 : memref<1x!tpu.dma_semaphore, #tpu.memory_space<semaphore_mem>> -> memref<!tpu.dma_semaphore, #tpu.memory_space<semaphore_mem>>
    %dma_start3A_56 = arith.constant 0 : i32
    %dma_start3A_57 = tpu.memref_slice %arg6[%dma_start3A_48, %dma_start3A_56] : memref<3x128xi32, #tpu.memory_space<vmem>> -> memref<1x128xi32, #tpu.memory_space<vmem>>
    %dma_start3A_58 = tpu.memref_squeeze %dma_start3A_57 : memref<1x128xi32, #tpu.memory_space<vmem>> -> memref<128xi32, #tpu.memory_space<vmem>>
    %dma_start3A_59 = tpu.memref_slice %arg3[%mul3A_47] : memref<320000xi32, #tpu.memory_space<hbm>> -> memref<128xi32, #tpu.memory_space<hbm>>
    tpu.enqueue_dma source(%dma_start3A_59 : memref<128xi32, #tpu.memory_space<hbm>>) target(%dma_start3A_58 : memref<128xi32, #tpu.memory_space<vmem>>) target_semaphore(%dma_start3A_55 : memref<!tpu.dma_semaphore, #tpu.memory_space<semaphore_mem>>)
    %mul3A_60 = arith.constant 128 : i32
    %mul3A_61 = arith.muli %add3A_45, %mul3A_60 : i32
    %dma_start3A_62 = arith.constant 1 : i32
    %dma_start3A_63 = arith.constant 1 : i32
    %dma_start3A_64 = arith.constant 0 : i32
    %dma_start3A_65 = arith.constant 0 : i32
    %dma_start3A_66 = tpu.memref_slice %arg7[%dma_start3A_62, %dma_start3A_64, %dma_start3A_65] : memref<3x128x128xf32, #tpu.memory_space<vmem>> -> memref<1x128x128xf32, #tpu.memory_space<vmem>>
    %dma_start3A_67 = tpu.memref_squeeze %dma_start3A_66 : memref<1x128x128xf32, #tpu.memory_space<vmem>> -> memref<128x128xf32, #tpu.memory_space<vmem>>
    %dma_start3A_68 = arith.constant 0 : i32
    %dma_start3A_69 = tpu.memref_slice %arg2[%mul3A_61, %dma_start3A_68] : memref<320000x128xf32, #tpu.memory_space<hbm>> -> memref<128x128xf32, #tpu.memory_space<hbm>>
    %dma_start3A_70 = tpu.memref_slice %arg10[%dma_start3A_63] : memref<3x!tpu.dma_semaphore, #tpu.memory_space<semaphore_mem>> -> memref<1x!tpu.dma_semaphore, #tpu.memory_space<semaphore_mem>>
    %dma_start3A_71 = tpu.memref_squeeze %dma_start3A_70 : memref<1x!tpu.dma_semaphore, #tpu.memory_space<semaphore_mem>> -> memref<!tpu.dma_semaphore, #tpu.memory_space<semaphore_mem>>
    %dma_start3A_72 = arith.constant 0 : i32
    %dma_start3A_73 = arith.constant 0 : i32
    %dma_start3A_74 = tpu.memref_slice %arg7[%dma_start3A_62, %dma_start3A_72, %dma_start3A_73] : memref<3x128x128xf32, #tpu.memory_space<vmem>> -> memref<1x128x128xf32, #tpu.memory_space<vmem>>
    %dma_start3A_75 = tpu.memref_squeeze %dma_start3A_74 : memref<1x128x128xf32, #tpu.memory_space<vmem>> -> memref<128x128xf32, #tpu.memory_space<vmem>>
    %dma_start3A_76 = arith.constant 0 : i32
    %dma_start3A_77 = tpu.memref_slice %arg2[%mul3A_61, %dma_start3A_76] : memref<320000x128xf32, #tpu.memory_space<hbm>> -> memref<128x128xf32, #tpu.memory_space<hbm>>
    tpu.enqueue_dma source(%dma_start3A_77 : memref<128x128xf32, #tpu.memory_space<hbm>>) target(%dma_start3A_75 : memref<128x128xf32, #tpu.memory_space<vmem>>) target_semaphore(%dma_start3A_71 : memref<!tpu.dma_semaphore, #tpu.memory_space<semaphore_mem>>)
    %add3A_78 = arith.constant 2 : i32
    %add3A_79 = arith.addi %add3A_10, %add3A_78 : i32
    %mul3A_80 = arith.constant 128 : i32
    %mul3A_81 = arith.muli %add3A_79, %mul3A_80 : i32
    %dma_start3A_82 = arith.constant 2 : i32
    %dma_start3A_83 = arith.constant 2 : i32
    %dma_start3A_84 = arith.constant 0 : i32
    %dma_start3A_85 = tpu.memref_slice %arg6[%dma_start3A_82, %dma_start3A_84] : memref<3x128xi32, #tpu.memory_space<vmem>> -> memref<1x128xi32, #tpu.memory_space<vmem>>
    %dma_start3A_86 = tpu.memref_squeeze %dma_start3A_85 : memref<1x128xi32, #tpu.memory_space<vmem>> -> memref<128xi32, #tpu.memory_space<vmem>>
    %dma_start3A_87 = tpu.memref_slice %arg3[%mul3A_81] : memref<320000xi32, #tpu.memory_space<hbm>> -> memref<128xi32, #tpu.memory_space<hbm>>
    %dma_start3A_88 = tpu.memref_slice %arg9[%dma_start3A_83] : memref<3x!tpu.dma_semaphore, #tpu.memory_space<semaphore_mem>> -> memref<1x!tpu.dma_semaphore, #tpu.memory_space<semaphore_mem>>
    %dma_start3A_89 = tpu.memref_squeeze %dma_start3A_88 : memref<1x!tpu.dma_semaphore, #tpu.memory_space<semaphore_mem>> -> memref<!tpu.dma_semaphore, #tpu.memory_space<semaphore_mem>>
    %dma_start3A_90 = arith.constant 0 : i32
    %dma_start3A_91 = tpu.memref_slice %arg6[%dma_start3A_82, %dma_start3A_90] : memref<3x128xi32, #tpu.memory_space<vmem>> -> memref<1x128xi32, #tpu.memory_space<vmem>>
    %dma_start3A_92 = tpu.memref_squeeze %dma_start3A_91 : memref<1x128xi32, #tpu.memory_space<vmem>> -> memref<128xi32, #tpu.memory_space<vmem>>
    %dma_start3A_93 = tpu.memref_slice %arg3[%mul3A_81] : memref<320000xi32, #tpu.memory_space<hbm>> -> memref<128xi32, #tpu.memory_space<hbm>>
    tpu.enqueue_dma source(%dma_start3A_93 : memref<128xi32, #tpu.memory_space<hbm>>) target(%dma_start3A_92 : memref<128xi32, #tpu.memory_space<vmem>>) target_semaphore(%dma_start3A_89 : memref<!tpu.dma_semaphore, #tpu.memory_space<semaphore_mem>>)
    %mul3A_94 = arith.constant 128 : i32
    %mul3A_95 = arith.muli %add3A_79, %mul3A_94 : i32
    %dma_start3A_96 = arith.constant 2 : i32
    %dma_start3A_97 = arith.constant 2 : i32
    %dma_start3A_98 = arith.constant 0 : i32
    %dma_start3A_99 = arith.constant 0 : i32
    %dma_start3A_100 = tpu.memref_slice %arg7[%dma_start3A_96, %dma_start3A_98, %dma_start3A_99] : memref<3x128x128xf32, #tpu.memory_space<vmem>> -> memref<1x128x128xf32, #tpu.memory_space<vmem>>
    %dma_start3A_101 = tpu.memref_squeeze %dma_start3A_100 : memref<1x128x128xf32, #tpu.memory_space<vmem>> -> memref<128x128xf32, #tpu.memory_space<vmem>>
    %dma_start3A_102 = arith.constant 0 : i32
    %dma_start3A_103 = tpu.memref_slice %arg2[%mul3A_95, %dma_start3A_102] : memref<320000x128xf32, #tpu.memory_space<hbm>> -> memref<128x128xf32, #tpu.memory_space<hbm>>
    %dma_start3A_104 = tpu.memref_slice %arg10[%dma_start3A_97] : memref<3x!tpu.dma_semaphore, #tpu.memory_space<semaphore_mem>> -> memref<1x!tpu.dma_semaphore, #tpu.memory_space<semaphore_mem>>
    %dma_start3A_105 = tpu.memref_squeeze %dma_start3A_104 : memref<1x!tpu.dma_semaphore, #tpu.memory_space<semaphore_mem>> -> memref<!tpu.dma_semaphore, #tpu.memory_space<semaphore_mem>>
    %dma_start3A_106 = arith.constant 0 : i32
    %dma_start3A_107 = arith.constant 0 : i32
    %dma_start3A_108 = tpu.memref_slice %arg7[%dma_start3A_96, %dma_start3A_106, %dma_start3A_107] : memref<3x128x128xf32, #tpu.memory_space<vmem>> -> memref<1x128x128xf32, #tpu.memory_space<vmem>>
    %dma_start3A_109 = tpu.memref_squeeze %dma_start3A_108 : memref<1x128x128xf32, #tpu.memory_space<vmem>> -> memref<128x128xf32, #tpu.memory_space<vmem>>
    %dma_start3A_110 = arith.constant 0 : i32
    %dma_start3A_111 = tpu.memref_slice %arg2[%mul3A_95, %dma_start3A_110] : memref<320000x128xf32, #tpu.memory_space<hbm>> -> memref<128x128xf32, #tpu.memory_space<hbm>>
    tpu.enqueue_dma source(%dma_start3A_111 : memref<128x128xf32, #tpu.memory_space<hbm>>) target(%dma_start3A_109 : memref<128x128xf32, #tpu.memory_space<vmem>>) target_semaphore(%dma_start3A_105 : memref<!tpu.dma_semaphore, #tpu.memory_space<semaphore_mem>>)
    %mul3A_112 = arith.constant 624 : i32
    %mul3A_113 = arith.muli %arg1, %mul3A_112 : i32
    %mul3A_114 = arith.constant 624 : i32
    %mul3A_115 = arith.muli %arg1, %mul3A_114 : i32
    "tpu.region"() ({
      %run_scoped3A = tpu.sem_alloc : memref<!tpu.dma_semaphore, #tpu.memory_space<semaphore_mem>>
      %dma_start3A_149 = arith.constant 0 : i32
      %dma_start3A_150 = tpu.memref_slice %arg8[%mul3A_115, %dma_start3A_149] : memref<10000x128xf32, #tpu.memory_space<vmem_shared>> -> memref<624x128xf32, #tpu.memory_space<vmem_shared>>
      %dma_start3A_151 = arith.constant 0 : i32
      %dma_start3A_152 = tpu.memref_slice %arg4[%mul3A_113, %dma_start3A_151] : memref<10000x128xf32, #tpu.memory_space<hbm>> -> memref<624x128xf32, #tpu.memory_space<hbm>>
      tpu.enqueue_dma source(%dma_start3A_152 : memref<624x128xf32, #tpu.memory_space<hbm>>) target(%dma_start3A_150 : memref<624x128xf32, #tpu.memory_space<vmem_shared>>) target_semaphore(%run_scoped3A : memref<!tpu.dma_semaphore, #tpu.memory_space<semaphore_mem>>)
      %dma_wait3A = arith.constant 0 : i32
      %dma_wait3A_153 = tpu.memref_slice %arg8[%mul3A_115, %dma_wait3A] : memref<10000x128xf32, #tpu.memory_space<vmem_shared>> -> memref<624x128xf32, #tpu.memory_space<vmem_shared>>
      %dma_wait3A_154 = arith.constant 0 : i32
      %dma_wait3A_155 = tpu.memref_slice %arg4[%mul3A_113, %dma_wait3A_154] : memref<10000x128xf32, #tpu.memory_space<hbm>> -> memref<624x128xf32, #tpu.memory_space<hbm>>
      tpu.wait_dma2 semaphore(%run_scoped3A : memref<!tpu.dma_semaphore, #tpu.memory_space<semaphore_mem>>) src(%dma_wait3A_155 : memref<624x128xf32, #tpu.memory_space<hbm>>) dst(%dma_wait3A_153 : memref<624x128xf32, #tpu.memory_space<vmem_shared>>)
      tpu.yield
    }) : () -> ()
    %eq3A = arith.constant 15 : i32
    %eq3A_116 = arith.cmpi eq, %arg1, %eq3A : i32
    %convert_element_type3A = arith.extui %eq3A_116 : i1 to i32
    %cond3A = arith.constant 0 : i32
    %cond3A_117 = arith.cmpi ne, %convert_element_type3A, %cond3A : i32
    scf.if %cond3A_117 {
      "tpu.region"() ({
        %run_scoped3A = tpu.sem_alloc : memref<!tpu.dma_semaphore, #tpu.memory_space<semaphore_mem>>
        %dma_start3A_149 = arith.constant 9984 : i32
        %dma_start3A_150 = arith.constant 0 : i32
        %dma_start3A_151 = tpu.memref_slice %arg8[%dma_start3A_149, %dma_start3A_150] : memref<10000x128xf32, #tpu.memory_space<vmem_shared>> -> memref<16x128xf32, #tpu.memory_space<vmem_shared>>
        %dma_start3A_152 = arith.constant 9984 : i32
        %dma_start3A_153 = arith.constant 0 : i32
        %dma_start3A_154 = tpu.memref_slice %arg4[%dma_start3A_152, %dma_start3A_153] : memref<10000x128xf32, #tpu.memory_space<hbm>> -> memref<16x128xf32, #tpu.memory_space<hbm>>
        tpu.enqueue_dma source(%dma_start3A_154 : memref<16x128xf32, #tpu.memory_space<hbm>>) target(%dma_start3A_151 : memref<16x128xf32, #tpu.memory_space<vmem_shared>>) target_semaphore(%run_scoped3A : memref<!tpu.dma_semaphore, #tpu.memory_space<semaphore_mem>>)
        %dma_wait3A = arith.constant 9984 : i32
        %dma_wait3A_155 = arith.constant 0 : i32
        %dma_wait3A_156 = tpu.memref_slice %arg8[%dma_wait3A, %dma_wait3A_155] : memref<10000x128xf32, #tpu.memory_space<vmem_shared>> -> memref<16x128xf32, #tpu.memory_space<vmem_shared>>
        %dma_wait3A_157 = arith.constant 9984 : i32
        %dma_wait3A_158 = arith.constant 0 : i32
        %dma_wait3A_159 = tpu.memref_slice %arg4[%dma_wait3A_157, %dma_wait3A_158] : memref<10000x128xf32, #tpu.memory_space<hbm>> -> memref<16x128xf32, #tpu.memory_space<hbm>>
        tpu.wait_dma2 semaphore(%run_scoped3A : memref<!tpu.dma_semaphore, #tpu.memory_space<semaphore_mem>>) src(%dma_wait3A_159 : memref<16x128xf32, #tpu.memory_space<hbm>>) dst(%dma_wait3A_156 : memref<16x128xf32, #tpu.memory_space<vmem_shared>>)
        tpu.yield
      }) : () -> ()
    } else {
    }
    %barrier3A = arith.constant 0 : index
    tpu.barrier barrier_id(%barrier3A)
    %sub3A = arith.constant 3 : i32
    %sub3A_118 = arith.subi %add3A_2, %sub3A : i32
    %while3A = arith.constant 0 : i32
    %while3A_119 = arith.constant 0 : i32
    %while3A_120 = arith.subi %sub3A_118, %while3A_119 : i32
    %while3A_121 = arith.addi %while3A_119, %while3A_120 : i32
    %while3A_122 = arith.constant 1 : i32
    %while3A_123 = arith.divsi %while3A_120, %while3A_122 : i32
    %while3A_124 = arith.muli %while3A_123, %while3A_122 : i32
    %while3A_125 = arith.addi %while3A_119, %while3A_124 : i32
    %while3A_126 = arith.constant 1 : i32
    scf.for %while3A_149 = %while3A_119 to %while3A_125 step %while3A_126  : i32 {
      %rem3A = arith.constant 3 : i32
      %rem3A_150 = arith.remsi %while3A_149, %rem3A : i32
      %dma_wait3A = arith.constant 0 : i32
      %dma_wait3A_151 = tpu.memref_slice %arg6[%rem3A_150, %dma_wait3A] : memref<3x128xi32, #tpu.memory_space<vmem>> -> memref<1x128xi32, #tpu.memory_space<vmem>>
      %dma_wait3A_152 = tpu.memref_squeeze %dma_wait3A_151 : memref<1x128xi32, #tpu.memory_space<vmem>> -> memref<128xi32, #tpu.memory_space<vmem>>
      %dma_wait3A_153 = arith.constant 0 : i32
      %dma_wait3A_154 = tpu.memref_slice %arg3[%dma_wait3A_153] : memref<320000xi32, #tpu.memory_space<hbm>> -> memref<128xi32, #tpu.memory_space<hbm>>
      %dma_wait3A_155 = tpu.memref_slice %arg9[%rem3A_150] : memref<3x!tpu.dma_semaphore, #tpu.memory_space<semaphore_mem>> -> memref<1x!tpu.dma_semaphore, #tpu.memory_space<semaphore_mem>>
      %dma_wait3A_156 = tpu.memref_squeeze %dma_wait3A_155 : memref<1x!tpu.dma_semaphore, #tpu.memory_space<semaphore_mem>> -> memref<!tpu.dma_semaphore, #tpu.memory_space<semaphore_mem>>
      %dma_wait3A_157 = arith.constant 0 : i32
      %dma_wait3A_158 = tpu.memref_slice %arg6[%rem3A_150, %dma_wait3A_157] : memref<3x128xi32, #tpu.memory_space<vmem>> -> memref<1x128xi32, #tpu.memory_space<vmem>>
      %dma_wait3A_159 = tpu.memref_squeeze %dma_wait3A_158 : memref<1x128xi32, #tpu.memory_space<vmem>> -> memref<128xi32, #tpu.memory_space<vmem>>
      %dma_wait3A_160 = arith.constant 0 : i32
      %dma_wait3A_161 = tpu.memref_slice %arg3[%dma_wait3A_160] : memref<320000xi32, #tpu.memory_space<hbm>> -> memref<128xi32, #tpu.memory_space<hbm>>
      tpu.wait_dma2 semaphore(%dma_wait3A_156 : memref<!tpu.dma_semaphore, #tpu.memory_space<semaphore_mem>>) src(%dma_wait3A_161 : memref<128xi32, #tpu.memory_space<hbm>>) dst(%dma_wait3A_159 : memref<128xi32, #tpu.memory_space<vmem>>)
      %dma_wait3A_162 = arith.constant 0 : i32
      %dma_wait3A_163 = arith.constant 0 : i32
      %dma_wait3A_164 = tpu.memref_slice %arg7[%rem3A_150, %dma_wait3A_162, %dma_wait3A_163] : memref<3x128x128xf32, #tpu.memory_space<vmem>> -> memref<1x128x128xf32, #tpu.memory_space<vmem>>
      %dma_wait3A_165 = tpu.memref_squeeze %dma_wait3A_164 : memref<1x128x128xf32, #tpu.memory_space<vmem>> -> memref<128x128xf32, #tpu.memory_space<vmem>>
      %dma_wait3A_166 = arith.constant 0 : i32
      %dma_wait3A_167 = arith.constant 0 : i32
      %dma_wait3A_168 = tpu.memref_slice %arg2[%dma_wait3A_166, %dma_wait3A_167] : memref<320000x128xf32, #tpu.memory_space<hbm>> -> memref<128x128xf32, #tpu.memory_space<hbm>>
      %dma_wait3A_169 = tpu.memref_slice %arg10[%rem3A_150] : memref<3x!tpu.dma_semaphore, #tpu.memory_space<semaphore_mem>> -> memref<1x!tpu.dma_semaphore, #tpu.memory_space<semaphore_mem>>
      %dma_wait3A_170 = tpu.memref_squeeze %dma_wait3A_169 : memref<1x!tpu.dma_semaphore, #tpu.memory_space<semaphore_mem>> -> memref<!tpu.dma_semaphore, #tpu.memory_space<semaphore_mem>>
      %dma_wait3A_171 = arith.constant 0 : i32
      %dma_wait3A_172 = arith.constant 0 : i32
      %dma_wait3A_173 = tpu.memref_slice %arg7[%rem3A_150, %dma_wait3A_171, %dma_wait3A_172] : memref<3x128x128xf32, #tpu.memory_space<vmem>> -> memref<1x128x128xf32, #tpu.memory_space<vmem>>
      %dma_wait3A_174 = tpu.memref_squeeze %dma_wait3A_173 : memref<1x128x128xf32, #tpu.memory_space<vmem>> -> memref<128x128xf32, #tpu.memory_space<vmem>>
      %dma_wait3A_175 = arith.constant 0 : i32
      %dma_wait3A_176 = arith.constant 0 : i32
      %dma_wait3A_177 = tpu.memref_slice %arg2[%dma_wait3A_175, %dma_wait3A_176] : memref<320000x128xf32, #tpu.memory_space<hbm>> -> memref<128x128xf32, #tpu.memory_space<hbm>>
      tpu.wait_dma2 semaphore(%dma_wait3A_170 : memref<!tpu.dma_semaphore, #tpu.memory_space<semaphore_mem>>) src(%dma_wait3A_177 : memref<128x128xf32, #tpu.memory_space<hbm>>) dst(%dma_wait3A_174 : memref<128x128xf32, #tpu.memory_space<vmem>>)
      "tpu.region"() ({
        %run_scoped3A = tpu.sem_alloc : memref<!tpu.dma_semaphore, #tpu.memory_space<semaphore_mem>>
        %dma_start3A_209 = arith.constant 0 : i32
        %dma_start3A_210 = arith.constant 0 : i32
        %dma_start3A_211 = tpu.memref_slice %arg7[%rem3A_150, %dma_start3A_209, %dma_start3A_210] : memref<3x128x128xf32, #tpu.memory_space<vmem>> -> memref<1x128x128xf32, #tpu.memory_space<vmem>>
        %dma_start3A_212 = tpu.memref_squeeze %dma_start3A_211 : memref<1x128x128xf32, #tpu.memory_space<vmem>> -> memref<128x128xf32, #tpu.memory_space<vmem>>
        %dma_start3A_213 = arith.constant 0 : i32
        %dma_start3A_214 = tpu.memref_slice %arg6[%rem3A_150, %dma_start3A_213] : memref<3x128xi32, #tpu.memory_space<vmem>> -> memref<1x128xi32, #tpu.memory_space<vmem>>
        %dma_start3A_215 = tpu.memref_squeeze %dma_start3A_214 : memref<1x128xi32, #tpu.memory_space<vmem>> -> memref<128xi32, #tpu.memory_space<vmem>>
        %dma_start3A_216 = arith.constant 0 : i32
        %dma_start3A_217 = arith.constant 0 : i32
        %dma_start3A_218 = tpu.memref_slice %arg8[%dma_start3A_216, %dma_start3A_217] : memref<10000x128xf32, #tpu.memory_space<vmem_shared>> -> memref<10000x128xf32, #tpu.memory_space<vmem_shared>>
        tpu.enqueue_indirect_dma source(%dma_start3A_212 : memref<128x128xf32, #tpu.memory_space<vmem>>) target(%dma_start3A_218 : memref<10000x128xf32, #tpu.memory_space<vmem_shared>>) offsets(%dma_start3A_215 : memref<128xi32, #tpu.memory_space<vmem>>) semaphore(%run_scoped3A : memref<!tpu.dma_semaphore, #tpu.memory_space<semaphore_mem>>) {add = true}
        %dma_wait3A_219 = arith.constant 0 : i32
        %dma_wait3A_220 = arith.constant 0 : i32
        %dma_wait3A_221 = tpu.memref_slice %arg7[%rem3A_150, %dma_wait3A_219, %dma_wait3A_220] : memref<3x128x128xf32, #tpu.memory_space<vmem>> -> memref<1x128x128xf32, #tpu.memory_space<vmem>>
        %dma_wait3A_222 = tpu.memref_squeeze %dma_wait3A_221 : memref<1x128x128xf32, #tpu.memory_space<vmem>> -> memref<128x128xf32, #tpu.memory_space<vmem>>
        %dma_wait3A_223 = arith.constant 0 : i32
        %dma_wait3A_224 = tpu.memref_slice %arg6[%rem3A_150, %dma_wait3A_223] : memref<3x128xi32, #tpu.memory_space<vmem>> -> memref<1x128xi32, #tpu.memory_space<vmem>>
        %dma_wait3A_225 = tpu.memref_squeeze %dma_wait3A_224 : memref<1x128xi32, #tpu.memory_space<vmem>> -> memref<128xi32, #tpu.memory_space<vmem>>
        %dma_wait3A_226 = arith.constant 0 : i32
        %dma_wait3A_227 = arith.constant 0 : i32
        %dma_wait3A_228 = tpu.memref_slice %arg8[%dma_wait3A_226, %dma_wait3A_227] : memref<10000x128xf32, #tpu.memory_space<vmem_shared>> -> memref<10000x128xf32, #tpu.memory_space<vmem_shared>>
        tpu.wait_indirect_dma semaphore(%run_scoped3A : memref<!tpu.dma_semaphore, #tpu.memory_space<semaphore_mem>>) src(%dma_wait3A_222 : memref<128x128xf32, #tpu.memory_space<vmem>>) dst(%dma_wait3A_228 : memref<10000x128xf32, #tpu.memory_space<vmem_shared>>)
        tpu.yield
      }) : () -> ()
      %add3A_178 = arith.constant 3 : i32
      %add3A_179 = arith.addi %while3A_149, %add3A_178 : i32
      %add3A_180 = arith.addi %add3A_10, %add3A_179 : i32
      %mul3A_181 = arith.constant 128 : i32
      %mul3A_182 = arith.muli %add3A_180, %mul3A_181 : i32
      %dma_start3A_183 = arith.constant 0 : i32
      %dma_start3A_184 = tpu.memref_slice %arg6[%rem3A_150, %dma_start3A_183] : memref<3x128xi32, #tpu.memory_space<vmem>> -> memref<1x128xi32, #tpu.memory_space<vmem>>
      %dma_start3A_185 = tpu.memref_squeeze %dma_start3A_184 : memref<1x128xi32, #tpu.memory_space<vmem>> -> memref<128xi32, #tpu.memory_space<vmem>>
      %dma_start3A_186 = tpu.memref_slice %arg3[%mul3A_182] : memref<320000xi32, #tpu.memory_space<hbm>> -> memref<128xi32, #tpu.memory_space<hbm>>
      %dma_start3A_187 = tpu.memref_slice %arg9[%rem3A_150] : memref<3x!tpu.dma_semaphore, #tpu.memory_space<semaphore_mem>> -> memref<1x!tpu.dma_semaphore, #tpu.memory_space<semaphore_mem>>
      %dma_start3A_188 = tpu.memref_squeeze %dma_start3A_187 : memref<1x!tpu.dma_semaphore, #tpu.memory_space<semaphore_mem>> -> memref<!tpu.dma_semaphore, #tpu.memory_space<semaphore_mem>>
      %dma_start3A_189 = arith.constant 0 : i32
      %dma_start3A_190 = tpu.memref_slice %arg6[%rem3A_150, %dma_start3A_189] : memref<3x128xi32, #tpu.memory_space<vmem>> -> memref<1x128xi32, #tpu.memory_space<vmem>>
      %dma_start3A_191 = tpu.memref_squeeze %dma_start3A_190 : memref<1x128xi32, #tpu.memory_space<vmem>> -> memref<128xi32, #tpu.memory_space<vmem>>
      %dma_start3A_192 = tpu.memref_slice %arg3[%mul3A_182] : memref<320000xi32, #tpu.memory_space<hbm>> -> memref<128xi32, #tpu.memory_space<hbm>>
      tpu.enqueue_dma source(%dma_start3A_192 : memref<128xi32, #tpu.memory_space<hbm>>) target(%dma_start3A_191 : memref<128xi32, #tpu.memory_space<vmem>>) target_semaphore(%dma_start3A_188 : memref<!tpu.dma_semaphore, #tpu.memory_space<semaphore_mem>>)
      %mul3A_193 = arith.constant 128 : i32
      %mul3A_194 = arith.muli %add3A_180, %mul3A_193 : i32
      %dma_start3A_195 = arith.constant 0 : i32
      %dma_start3A_196 = arith.constant 0 : i32
      %dma_start3A_197 = tpu.memref_slice %arg7[%rem3A_150, %dma_start3A_195, %dma_start3A_196] : memref<3x128x128xf32, #tpu.memory_space<vmem>> -> memref<1x128x128xf32, #tpu.memory_space<vmem>>
      %dma_start3A_198 = tpu.memref_squeeze %dma_start3A_197 : memref<1x128x128xf32, #tpu.memory_space<vmem>> -> memref<128x128xf32, #tpu.memory_space<vmem>>
      %dma_start3A_199 = arith.constant 0 : i32
      %dma_start3A_200 = tpu.memref_slice %arg2[%mul3A_194, %dma_start3A_199] : memref<320000x128xf32, #tpu.memory_space<hbm>> -> memref<128x128xf32, #tpu.memory_space<hbm>>
      %dma_start3A_201 = tpu.memref_slice %arg10[%rem3A_150] : memref<3x!tpu.dma_semaphore, #tpu.memory_space<semaphore_mem>> -> memref<1x!tpu.dma_semaphore, #tpu.memory_space<semaphore_mem>>
      %dma_start3A_202 = tpu.memref_squeeze %dma_start3A_201 : memref<1x!tpu.dma_semaphore, #tpu.memory_space<semaphore_mem>> -> memref<!tpu.dma_semaphore, #tpu.memory_space<semaphore_mem>>
      %dma_start3A_203 = arith.constant 0 : i32
      %dma_start3A_204 = arith.constant 0 : i32
      %dma_start3A_205 = tpu.memref_slice %arg7[%rem3A_150, %dma_start3A_203, %dma_start3A_204] : memref<3x128x128xf32, #tpu.memory_space<vmem>> -> memref<1x128x128xf32, #tpu.memory_space<vmem>>
      %dma_start3A_206 = tpu.memref_squeeze %dma_start3A_205 : memref<1x128x128xf32, #tpu.memory_space<vmem>> -> memref<128x128xf32, #tpu.memory_space<vmem>>
      %dma_start3A_207 = arith.constant 0 : i32
      %dma_start3A_208 = tpu.memref_slice %arg2[%mul3A_194, %dma_start3A_207] : memref<320000x128xf32, #tpu.memory_space<hbm>> -> memref<128x128xf32, #tpu.memory_space<hbm>>
      tpu.enqueue_dma source(%dma_start3A_208 : memref<128x128xf32, #tpu.memory_space<hbm>>) target(%dma_start3A_206 : memref<128x128xf32, #tpu.memory_space<vmem>>) target_semaphore(%dma_start3A_202 : memref<!tpu.dma_semaphore, #tpu.memory_space<semaphore_mem>>)
    }
    %while3A_127 = arith.constant 1 : i32
    scf.for %while3A_149 = %while3A_125 to %while3A_121 step %while3A_127  : i32 {
      %rem3A = arith.constant 3 : i32
      %rem3A_150 = arith.remsi %while3A_149, %rem3A : i32
      %dma_wait3A = arith.constant 0 : i32
      %dma_wait3A_151 = tpu.memref_slice %arg6[%rem3A_150, %dma_wait3A] : memref<3x128xi32, #tpu.memory_space<vmem>> -> memref<1x128xi32, #tpu.memory_space<vmem>>
      %dma_wait3A_152 = tpu.memref_squeeze %dma_wait3A_151 : memref<1x128xi32, #tpu.memory_space<vmem>> -> memref<128xi32, #tpu.memory_space<vmem>>
      %dma_wait3A_153 = arith.constant 0 : i32
      %dma_wait3A_154 = tpu.memref_slice %arg3[%dma_wait3A_153] : memref<320000xi32, #tpu.memory_space<hbm>> -> memref<128xi32, #tpu.memory_space<hbm>>
      %dma_wait3A_155 = tpu.memref_slice %arg9[%rem3A_150] : memref<3x!tpu.dma_semaphore, #tpu.memory_space<semaphore_mem>> -> memref<1x!tpu.dma_semaphore, #tpu.memory_space<semaphore_mem>>
      %dma_wait3A_156 = tpu.memref_squeeze %dma_wait3A_155 : memref<1x!tpu.dma_semaphore, #tpu.memory_space<semaphore_mem>> -> memref<!tpu.dma_semaphore, #tpu.memory_space<semaphore_mem>>
      %dma_wait3A_157 = arith.constant 0 : i32
      %dma_wait3A_158 = tpu.memref_slice %arg6[%rem3A_150, %dma_wait3A_157] : memref<3x128xi32, #tpu.memory_space<vmem>> -> memref<1x128xi32, #tpu.memory_space<vmem>>
      %dma_wait3A_159 = tpu.memref_squeeze %dma_wait3A_158 : memref<1x128xi32, #tpu.memory_space<vmem>> -> memref<128xi32, #tpu.memory_space<vmem>>
      %dma_wait3A_160 = arith.constant 0 : i32
      %dma_wait3A_161 = tpu.memref_slice %arg3[%dma_wait3A_160] : memref<320000xi32, #tpu.memory_space<hbm>> -> memref<128xi32, #tpu.memory_space<hbm>>
      tpu.wait_dma2 semaphore(%dma_wait3A_156 : memref<!tpu.dma_semaphore, #tpu.memory_space<semaphore_mem>>) src(%dma_wait3A_161 : memref<128xi32, #tpu.memory_space<hbm>>) dst(%dma_wait3A_159 : memref<128xi32, #tpu.memory_space<vmem>>)
      %dma_wait3A_162 = arith.constant 0 : i32
      %dma_wait3A_163 = arith.constant 0 : i32
      %dma_wait3A_164 = tpu.memref_slice %arg7[%rem3A_150, %dma_wait3A_162, %dma_wait3A_163] : memref<3x128x128xf32, #tpu.memory_space<vmem>> -> memref<1x128x128xf32, #tpu.memory_space<vmem>>
      %dma_wait3A_165 = tpu.memref_squeeze %dma_wait3A_164 : memref<1x128x128xf32, #tpu.memory_space<vmem>> -> memref<128x128xf32, #tpu.memory_space<vmem>>
      %dma_wait3A_166 = arith.constant 0 : i32
      %dma_wait3A_167 = arith.constant 0 : i32
      %dma_wait3A_168 = tpu.memref_slice %arg2[%dma_wait3A_166, %dma_wait3A_167] : memref<320000x128xf32, #tpu.memory_space<hbm>> -> memref<128x128xf32, #tpu.memory_space<hbm>>
      %dma_wait3A_169 = tpu.memref_slice %arg10[%rem3A_150] : memref<3x!tpu.dma_semaphore, #tpu.memory_space<semaphore_mem>> -> memref<1x!tpu.dma_semaphore, #tpu.memory_space<semaphore_mem>>
      %dma_wait3A_170 = tpu.memref_squeeze %dma_wait3A_169 : memref<1x!tpu.dma_semaphore, #tpu.memory_space<semaphore_mem>> -> memref<!tpu.dma_semaphore, #tpu.memory_space<semaphore_mem>>
      %dma_wait3A_171 = arith.constant 0 : i32
      %dma_wait3A_172 = arith.constant 0 : i32
      %dma_wait3A_173 = tpu.memref_slice %arg7[%rem3A_150, %dma_wait3A_171, %dma_wait3A_172] : memref<3x128x128xf32, #tpu.memory_space<vmem>> -> memref<1x128x128xf32, #tpu.memory_space<vmem>>
      %dma_wait3A_174 = tpu.memref_squeeze %dma_wait3A_173 : memref<1x128x128xf32, #tpu.memory_space<vmem>> -> memref<128x128xf32, #tpu.memory_space<vmem>>
      %dma_wait3A_175 = arith.constant 0 : i32
      %dma_wait3A_176 = arith.constant 0 : i32
      %dma_wait3A_177 = tpu.memref_slice %arg2[%dma_wait3A_175, %dma_wait3A_176] : memref<320000x128xf32, #tpu.memory_space<hbm>> -> memref<128x128xf32, #tpu.memory_space<hbm>>
      tpu.wait_dma2 semaphore(%dma_wait3A_170 : memref<!tpu.dma_semaphore, #tpu.memory_space<semaphore_mem>>) src(%dma_wait3A_177 : memref<128x128xf32, #tpu.memory_space<hbm>>) dst(%dma_wait3A_174 : memref<128x128xf32, #tpu.memory_space<vmem>>)
      "tpu.region"() ({
        %run_scoped3A = tpu.sem_alloc : memref<!tpu.dma_semaphore, #tpu.memory_space<semaphore_mem>>
        %dma_start3A_209 = arith.constant 0 : i32
        %dma_start3A_210 = arith.constant 0 : i32
        %dma_start3A_211 = tpu.memref_slice %arg7[%rem3A_150, %dma_start3A_209, %dma_start3A_210] : memref<3x128x128xf32, #tpu.memory_space<vmem>> -> memref<1x128x128xf32, #tpu.memory_space<vmem>>
        %dma_start3A_212 = tpu.memref_squeeze %dma_start3A_211 : memref<1x128x128xf32, #tpu.memory_space<vmem>> -> memref<128x128xf32, #tpu.memory_space<vmem>>
        %dma_start3A_213 = arith.constant 0 : i32
        %dma_start3A_214 = tpu.memref_slice %arg6[%rem3A_150, %dma_start3A_213] : memref<3x128xi32, #tpu.memory_space<vmem>> -> memref<1x128xi32, #tpu.memory_space<vmem>>
        %dma_start3A_215 = tpu.memref_squeeze %dma_start3A_214 : memref<1x128xi32, #tpu.memory_space<vmem>> -> memref<128xi32, #tpu.memory_space<vmem>>
        %dma_start3A_216 = arith.constant 0 : i32
        %dma_start3A_217 = arith.constant 0 : i32
        %dma_start3A_218 = tpu.memref_slice %arg8[%dma_start3A_216, %dma_start3A_217] : memref<10000x128xf32, #tpu.memory_space<vmem_shared>> -> memref<10000x128xf32, #tpu.memory_space<vmem_shared>>
        tpu.enqueue_indirect_dma source(%dma_start3A_212 : memref<128x128xf32, #tpu.memory_space<vmem>>) target(%dma_start3A_218 : memref<10000x128xf32, #tpu.memory_space<vmem_shared>>) offsets(%dma_start3A_215 : memref<128xi32, #tpu.memory_space<vmem>>) semaphore(%run_scoped3A : memref<!tpu.dma_semaphore, #tpu.memory_space<semaphore_mem>>) {add = true}
        %dma_wait3A_219 = arith.constant 0 : i32
        %dma_wait3A_220 = arith.constant 0 : i32
        %dma_wait3A_221 = tpu.memref_slice %arg7[%rem3A_150, %dma_wait3A_219, %dma_wait3A_220] : memref<3x128x128xf32, #tpu.memory_space<vmem>> -> memref<1x128x128xf32, #tpu.memory_space<vmem>>
        %dma_wait3A_222 = tpu.memref_squeeze %dma_wait3A_221 : memref<1x128x128xf32, #tpu.memory_space<vmem>> -> memref<128x128xf32, #tpu.memory_space<vmem>>
        %dma_wait3A_223 = arith.constant 0 : i32
        %dma_wait3A_224 = tpu.memref_slice %arg6[%rem3A_150, %dma_wait3A_223] : memref<3x128xi32, #tpu.memory_space<vmem>> -> memref<1x128xi32, #tpu.memory_space<vmem>>
        %dma_wait3A_225 = tpu.memref_squeeze %dma_wait3A_224 : memref<1x128xi32, #tpu.memory_space<vmem>> -> memref<128xi32, #tpu.memory_space<vmem>>
        %dma_wait3A_226 = arith.constant 0 : i32
        %dma_wait3A_227 = arith.constant 0 : i32
        %dma_wait3A_228 = tpu.memref_slice %arg8[%dma_wait3A_226, %dma_wait3A_227] : memref<10000x128xf32, #tpu.memory_space<vmem_shared>> -> memref<10000x128xf32, #tpu.memory_space<vmem_shared>>
        tpu.wait_indirect_dma semaphore(%run_scoped3A : memref<!tpu.dma_semaphore, #tpu.memory_space<semaphore_mem>>) src(%dma_wait3A_222 : memref<128x128xf32, #tpu.memory_space<vmem>>) dst(%dma_wait3A_228 : memref<10000x128xf32, #tpu.memory_space<vmem_shared>>)
        tpu.yield
      }) : () -> ()
      %add3A_178 = arith.constant 3 : i32
      %add3A_179 = arith.addi %while3A_149, %add3A_178 : i32
      %add3A_180 = arith.addi %add3A_10, %add3A_179 : i32
      %mul3A_181 = arith.constant 128 : i32
      %mul3A_182 = arith.muli %add3A_180, %mul3A_181 : i32
      %dma_start3A_183 = arith.constant 0 : i32
      %dma_start3A_184 = tpu.memref_slice %arg6[%rem3A_150, %dma_start3A_183] : memref<3x128xi32, #tpu.memory_space<vmem>> -> memref<1x128xi32, #tpu.memory_space<vmem>>
      %dma_start3A_185 = tpu.memref_squeeze %dma_start3A_184 : memref<1x128xi32, #tpu.memory_space<vmem>> -> memref<128xi32, #tpu.memory_space<vmem>>
      %dma_start3A_186 = tpu.memref_slice %arg3[%mul3A_182] : memref<320000xi32, #tpu.memory_space<hbm>> -> memref<128xi32, #tpu.memory_space<hbm>>
      %dma_start3A_187 = tpu.memref_slice %arg9[%rem3A_150] : memref<3x!tpu.dma_semaphore, #tpu.memory_space<semaphore_mem>> -> memref<1x!tpu.dma_semaphore, #tpu.memory_space<semaphore_mem>>
      %dma_start3A_188 = tpu.memref_squeeze %dma_start3A_187 : memref<1x!tpu.dma_semaphore, #tpu.memory_space<semaphore_mem>> -> memref<!tpu.dma_semaphore, #tpu.memory_space<semaphore_mem>>
      %dma_start3A_189 = arith.constant 0 : i32
      %dma_start3A_190 = tpu.memref_slice %arg6[%rem3A_150, %dma_start3A_189] : memref<3x128xi32, #tpu.memory_space<vmem>> -> memref<1x128xi32, #tpu.memory_space<vmem>>
      %dma_start3A_191 = tpu.memref_squeeze %dma_start3A_190 : memref<1x128xi32, #tpu.memory_space<vmem>> -> memref<128xi32, #tpu.memory_space<vmem>>
      %dma_start3A_192 = tpu.memref_slice %arg3[%mul3A_182] : memref<320000xi32, #tpu.memory_space<hbm>> -> memref<128xi32, #tpu.memory_space<hbm>>
      tpu.enqueue_dma source(%dma_start3A_192 : memref<128xi32, #tpu.memory_space<hbm>>) target(%dma_start3A_191 : memref<128xi32, #tpu.memory_space<vmem>>) target_semaphore(%dma_start3A_188 : memref<!tpu.dma_semaphore, #tpu.memory_space<semaphore_mem>>)
      %mul3A_193 = arith.constant 128 : i32
      %mul3A_194 = arith.muli %add3A_180, %mul3A_193 : i32
      %dma_start3A_195 = arith.constant 0 : i32
      %dma_start3A_196 = arith.constant 0 : i32
      %dma_start3A_197 = tpu.memref_slice %arg7[%rem3A_150, %dma_start3A_195, %dma_start3A_196] : memref<3x128x128xf32, #tpu.memory_space<vmem>> -> memref<1x128x128xf32, #tpu.memory_space<vmem>>
      %dma_start3A_198 = tpu.memref_squeeze %dma_start3A_197 : memref<1x128x128xf32, #tpu.memory_space<vmem>> -> memref<128x128xf32, #tpu.memory_space<vmem>>
      %dma_start3A_199 = arith.constant 0 : i32
      %dma_start3A_200 = tpu.memref_slice %arg2[%mul3A_194, %dma_start3A_199] : memref<320000x128xf32, #tpu.memory_space<hbm>> -> memref<128x128xf32, #tpu.memory_space<hbm>>
      %dma_start3A_201 = tpu.memref_slice %arg10[%rem3A_150] : memref<3x!tpu.dma_semaphore, #tpu.memory_space<semaphore_mem>> -> memref<1x!tpu.dma_semaphore, #tpu.memory_space<semaphore_mem>>
      %dma_start3A_202 = tpu.memref_squeeze %dma_start3A_201 : memref<1x!tpu.dma_semaphore, #tpu.memory_space<semaphore_mem>> -> memref<!tpu.dma_semaphore, #tpu.memory_space<semaphore_mem>>
      %dma_start3A_203 = arith.constant 0 : i32
      %dma_start3A_204 = arith.constant 0 : i32
      %dma_start3A_205 = tpu.memref_slice %arg7[%rem3A_150, %dma_start3A_203, %dma_start3A_204] : memref<3x128x128xf32, #tpu.memory_space<vmem>> -> memref<1x128x128xf32, #tpu.memory_space<vmem>>
      %dma_start3A_206 = tpu.memref_squeeze %dma_start3A_205 : memref<1x128x128xf32, #tpu.memory_space<vmem>> -> memref<128x128xf32, #tpu.memory_space<vmem>>
      %dma_start3A_207 = arith.constant 0 : i32
      %dma_start3A_208 = tpu.memref_slice %arg2[%mul3A_194, %dma_start3A_207] : memref<320000x128xf32, #tpu.memory_space<hbm>> -> memref<128x128xf32, #tpu.memory_space<hbm>>
      tpu.enqueue_dma source(%dma_start3A_208 : memref<128x128xf32, #tpu.memory_space<hbm>>) target(%dma_start3A_206 : memref<128x128xf32, #tpu.memory_space<vmem>>) target_semaphore(%dma_start3A_202 : memref<!tpu.dma_semaphore, #tpu.memory_space<semaphore_mem>>)
    }
    %sub3A_128 = arith.constant 3 : i32
    %sub3A_129 = arith.subi %add3A_2, %sub3A_128 : i32
    %while3A_130 = arith.constant 0 : i32
    %while3A_131 = arith.subi %add3A_2, %sub3A_129 : i32
    %while3A_132 = arith.addi %sub3A_129, %while3A_131 : i32
    %while3A_133 = arith.constant 1 : i32
    %while3A_134 = arith.divsi %while3A_131, %while3A_133 : i32
    %while3A_135 = arith.muli %while3A_134, %while3A_133 : i32
    %while3A_136 = arith.addi %sub3A_129, %while3A_135 : i32
    %while3A_137 = arith.constant 1 : i32
    scf.for %while3A_149 = %sub3A_129 to %while3A_136 step %while3A_137  : i32 {
      %rem3A = arith.constant 3 : i32
      %rem3A_150 = arith.remsi %while3A_149, %rem3A : i32
      %dma_wait3A = arith.constant 0 : i32
      %dma_wait3A_151 = tpu.memref_slice %arg6[%rem3A_150, %dma_wait3A] : memref<3x128xi32, #tpu.memory_space<vmem>> -> memref<1x128xi32, #tpu.memory_space<vmem>>
      %dma_wait3A_152 = tpu.memref_squeeze %dma_wait3A_151 : memref<1x128xi32, #tpu.memory_space<vmem>> -> memref<128xi32, #tpu.memory_space<vmem>>
      %dma_wait3A_153 = arith.constant 0 : i32
      %dma_wait3A_154 = tpu.memref_slice %arg3[%dma_wait3A_153] : memref<320000xi32, #tpu.memory_space<hbm>> -> memref<128xi32, #tpu.memory_space<hbm>>
      %dma_wait3A_155 = tpu.memref_slice %arg9[%rem3A_150] : memref<3x!tpu.dma_semaphore, #tpu.memory_space<semaphore_mem>> -> memref<1x!tpu.dma_semaphore, #tpu.memory_space<semaphore_mem>>
      %dma_wait3A_156 = tpu.memref_squeeze %dma_wait3A_155 : memref<1x!tpu.dma_semaphore, #tpu.memory_space<semaphore_mem>> -> memref<!tpu.dma_semaphore, #tpu.memory_space<semaphore_mem>>
      %dma_wait3A_157 = arith.constant 0 : i32
      %dma_wait3A_158 = tpu.memref_slice %arg6[%rem3A_150, %dma_wait3A_157] : memref<3x128xi32, #tpu.memory_space<vmem>> -> memref<1x128xi32, #tpu.memory_space<vmem>>
      %dma_wait3A_159 = tpu.memref_squeeze %dma_wait3A_158 : memref<1x128xi32, #tpu.memory_space<vmem>> -> memref<128xi32, #tpu.memory_space<vmem>>
      %dma_wait3A_160 = arith.constant 0 : i32
      %dma_wait3A_161 = tpu.memref_slice %arg3[%dma_wait3A_160] : memref<320000xi32, #tpu.memory_space<hbm>> -> memref<128xi32, #tpu.memory_space<hbm>>
      tpu.wait_dma2 semaphore(%dma_wait3A_156 : memref<!tpu.dma_semaphore, #tpu.memory_space<semaphore_mem>>) src(%dma_wait3A_161 : memref<128xi32, #tpu.memory_space<hbm>>) dst(%dma_wait3A_159 : memref<128xi32, #tpu.memory_space<vmem>>)
      %dma_wait3A_162 = arith.constant 0 : i32
      %dma_wait3A_163 = arith.constant 0 : i32
      %dma_wait3A_164 = tpu.memref_slice %arg7[%rem3A_150, %dma_wait3A_162, %dma_wait3A_163] : memref<3x128x128xf32, #tpu.memory_space<vmem>> -> memref<1x128x128xf32, #tpu.memory_space<vmem>>
      %dma_wait3A_165 = tpu.memref_squeeze %dma_wait3A_164 : memref<1x128x128xf32, #tpu.memory_space<vmem>> -> memref<128x128xf32, #tpu.memory_space<vmem>>
      %dma_wait3A_166 = arith.constant 0 : i32
      %dma_wait3A_167 = arith.constant 0 : i32
      %dma_wait3A_168 = tpu.memref_slice %arg2[%dma_wait3A_166, %dma_wait3A_167] : memref<320000x128xf32, #tpu.memory_space<hbm>> -> memref<128x128xf32, #tpu.memory_space<hbm>>
      %dma_wait3A_169 = tpu.memref_slice %arg10[%rem3A_150] : memref<3x!tpu.dma_semaphore, #tpu.memory_space<semaphore_mem>> -> memref<1x!tpu.dma_semaphore, #tpu.memory_space<semaphore_mem>>
      %dma_wait3A_170 = tpu.memref_squeeze %dma_wait3A_169 : memref<1x!tpu.dma_semaphore, #tpu.memory_space<semaphore_mem>> -> memref<!tpu.dma_semaphore, #tpu.memory_space<semaphore_mem>>
      %dma_wait3A_171 = arith.constant 0 : i32
      %dma_wait3A_172 = arith.constant 0 : i32
      %dma_wait3A_173 = tpu.memref_slice %arg7[%rem3A_150, %dma_wait3A_171, %dma_wait3A_172] : memref<3x128x128xf32, #tpu.memory_space<vmem>> -> memref<1x128x128xf32, #tpu.memory_space<vmem>>
      %dma_wait3A_174 = tpu.memref_squeeze %dma_wait3A_173 : memref<1x128x128xf32, #tpu.memory_space<vmem>> -> memref<128x128xf32, #tpu.memory_space<vmem>>
      %dma_wait3A_175 = arith.constant 0 : i32
      %dma_wait3A_176 = arith.constant 0 : i32
      %dma_wait3A_177 = tpu.memref_slice %arg2[%dma_wait3A_175, %dma_wait3A_176] : memref<320000x128xf32, #tpu.memory_space<hbm>> -> memref<128x128xf32, #tpu.memory_space<hbm>>
      tpu.wait_dma2 semaphore(%dma_wait3A_170 : memref<!tpu.dma_semaphore, #tpu.memory_space<semaphore_mem>>) src(%dma_wait3A_177 : memref<128x128xf32, #tpu.memory_space<hbm>>) dst(%dma_wait3A_174 : memref<128x128xf32, #tpu.memory_space<vmem>>)
      "tpu.region"() ({
        %run_scoped3A = tpu.sem_alloc : memref<!tpu.dma_semaphore, #tpu.memory_space<semaphore_mem>>
        %dma_start3A_178 = arith.constant 0 : i32
        %dma_start3A_179 = arith.constant 0 : i32
        %dma_start3A_180 = tpu.memref_slice %arg7[%rem3A_150, %dma_start3A_178, %dma_start3A_179] : memref<3x128x128xf32, #tpu.memory_space<vmem>> -> memref<1x128x128xf32, #tpu.memory_space<vmem>>
        %dma_start3A_181 = tpu.memref_squeeze %dma_start3A_180 : memref<1x128x128xf32, #tpu.memory_space<vmem>> -> memref<128x128xf32, #tpu.memory_space<vmem>>
        %dma_start3A_182 = arith.constant 0 : i32
        %dma_start3A_183 = tpu.memref_slice %arg6[%rem3A_150, %dma_start3A_182] : memref<3x128xi32, #tpu.memory_space<vmem>> -> memref<1x128xi32, #tpu.memory_space<vmem>>
        %dma_start3A_184 = tpu.memref_squeeze %dma_start3A_183 : memref<1x128xi32, #tpu.memory_space<vmem>> -> memref<128xi32, #tpu.memory_space<vmem>>
        %dma_start3A_185 = arith.constant 0 : i32
        %dma_start3A_186 = arith.constant 0 : i32
        %dma_start3A_187 = tpu.memref_slice %arg8[%dma_start3A_185, %dma_start3A_186] : memref<10000x128xf32, #tpu.memory_space<vmem_shared>> -> memref<10000x128xf32, #tpu.memory_space<vmem_shared>>
        tpu.enqueue_indirect_dma source(%dma_start3A_181 : memref<128x128xf32, #tpu.memory_space<vmem>>) target(%dma_start3A_187 : memref<10000x128xf32, #tpu.memory_space<vmem_shared>>) offsets(%dma_start3A_184 : memref<128xi32, #tpu.memory_space<vmem>>) semaphore(%run_scoped3A : memref<!tpu.dma_semaphore, #tpu.memory_space<semaphore_mem>>) {add = true}
        %dma_wait3A_188 = arith.constant 0 : i32
        %dma_wait3A_189 = arith.constant 0 : i32
        %dma_wait3A_190 = tpu.memref_slice %arg7[%rem3A_150, %dma_wait3A_188, %dma_wait3A_189] : memref<3x128x128xf32, #tpu.memory_space<vmem>> -> memref<1x128x128xf32, #tpu.memory_space<vmem>>
        %dma_wait3A_191 = tpu.memref_squeeze %dma_wait3A_190 : memref<1x128x128xf32, #tpu.memory_space<vmem>> -> memref<128x128xf32, #tpu.memory_space<vmem>>
        %dma_wait3A_192 = arith.constant 0 : i32
        %dma_wait3A_193 = tpu.memref_slice %arg6[%rem3A_150, %dma_wait3A_192] : memref<3x128xi32, #tpu.memory_space<vmem>> -> memref<1x128xi32, #tpu.memory_space<vmem>>
        %dma_wait3A_194 = tpu.memref_squeeze %dma_wait3A_193 : memref<1x128xi32, #tpu.memory_space<vmem>> -> memref<128xi32, #tpu.memory_space<vmem>>
        %dma_wait3A_195 = arith.constant 0 : i32
        %dma_wait3A_196 = arith.constant 0 : i32
        %dma_wait3A_197 = tpu.memref_slice %arg8[%dma_wait3A_195, %dma_wait3A_196] : memref<10000x128xf32, #tpu.memory_space<vmem_shared>> -> memref<10000x128xf32, #tpu.memory_space<vmem_shared>>
        tpu.wait_indirect_dma semaphore(%run_scoped3A : memref<!tpu.dma_semaphore, #tpu.memory_space<semaphore_mem>>) src(%dma_wait3A_191 : memref<128x128xf32, #tpu.memory_space<vmem>>) dst(%dma_wait3A_197 : memref<10000x128xf32, #tpu.memory_space<vmem_shared>>)
        tpu.yield
      }) : () -> ()
    }
    %while3A_138 = arith.constant 1 : i32
    scf.for %while3A_149 = %while3A_136 to %while3A_132 step %while3A_138  : i32 {
      %rem3A = arith.constant 3 : i32
      %rem3A_150 = arith.remsi %while3A_149, %rem3A : i32
      %dma_wait3A = arith.constant 0 : i32
      %dma_wait3A_151 = tpu.memref_slice %arg6[%rem3A_150, %dma_wait3A] : memref<3x128xi32, #tpu.memory_space<vmem>> -> memref<1x128xi32, #tpu.memory_space<vmem>>
      %dma_wait3A_152 = tpu.memref_squeeze %dma_wait3A_151 : memref<1x128xi32, #tpu.memory_space<vmem>> -> memref<128xi32, #tpu.memory_space<vmem>>
      %dma_wait3A_153 = arith.constant 0 : i32
      %dma_wait3A_154 = tpu.memref_slice %arg3[%dma_wait3A_153] : memref<320000xi32, #tpu.memory_space<hbm>> -> memref<128xi32, #tpu.memory_space<hbm>>
      %dma_wait3A_155 = tpu.memref_slice %arg9[%rem3A_150] : memref<3x!tpu.dma_semaphore, #tpu.memory_space<semaphore_mem>> -> memref<1x!tpu.dma_semaphore, #tpu.memory_space<semaphore_mem>>
      %dma_wait3A_156 = tpu.memref_squeeze %dma_wait3A_155 : memref<1x!tpu.dma_semaphore, #tpu.memory_space<semaphore_mem>> -> memref<!tpu.dma_semaphore, #tpu.memory_space<semaphore_mem>>
      %dma_wait3A_157 = arith.constant 0 : i32
      %dma_wait3A_158 = tpu.memref_slice %arg6[%rem3A_150, %dma_wait3A_157] : memref<3x128xi32, #tpu.memory_space<vmem>> -> memref<1x128xi32, #tpu.memory_space<vmem>>
      %dma_wait3A_159 = tpu.memref_squeeze %dma_wait3A_158 : memref<1x128xi32, #tpu.memory_space<vmem>> -> memref<128xi32, #tpu.memory_space<vmem>>
      %dma_wait3A_160 = arith.constant 0 : i32
      %dma_wait3A_161 = tpu.memref_slice %arg3[%dma_wait3A_160] : memref<320000xi32, #tpu.memory_space<hbm>> -> memref<128xi32, #tpu.memory_space<hbm>>
      tpu.wait_dma2 semaphore(%dma_wait3A_156 : memref<!tpu.dma_semaphore, #tpu.memory_space<semaphore_mem>>) src(%dma_wait3A_161 : memref<128xi32, #tpu.memory_space<hbm>>) dst(%dma_wait3A_159 : memref<128xi32, #tpu.memory_space<vmem>>)
      %dma_wait3A_162 = arith.constant 0 : i32
      %dma_wait3A_163 = arith.constant 0 : i32
      %dma_wait3A_164 = tpu.memref_slice %arg7[%rem3A_150, %dma_wait3A_162, %dma_wait3A_163] : memref<3x128x128xf32, #tpu.memory_space<vmem>> -> memref<1x128x128xf32, #tpu.memory_space<vmem>>
      %dma_wait3A_165 = tpu.memref_squeeze %dma_wait3A_164 : memref<1x128x128xf32, #tpu.memory_space<vmem>> -> memref<128x128xf32, #tpu.memory_space<vmem>>
      %dma_wait3A_166 = arith.constant 0 : i32
      %dma_wait3A_167 = arith.constant 0 : i32
      %dma_wait3A_168 = tpu.memref_slice %arg2[%dma_wait3A_166, %dma_wait3A_167] : memref<320000x128xf32, #tpu.memory_space<hbm>> -> memref<128x128xf32, #tpu.memory_space<hbm>>
      %dma_wait3A_169 = tpu.memref_slice %arg10[%rem3A_150] : memref<3x!tpu.dma_semaphore, #tpu.memory_space<semaphore_mem>> -> memref<1x!tpu.dma_semaphore, #tpu.memory_space<semaphore_mem>>
      %dma_wait3A_170 = tpu.memref_squeeze %dma_wait3A_169 : memref<1x!tpu.dma_semaphore, #tpu.memory_space<semaphore_mem>> -> memref<!tpu.dma_semaphore, #tpu.memory_space<semaphore_mem>>
      %dma_wait3A_171 = arith.constant 0 : i32
      %dma_wait3A_172 = arith.constant 0 : i32
      %dma_wait3A_173 = tpu.memref_slice %arg7[%rem3A_150, %dma_wait3A_171, %dma_wait3A_172] : memref<3x128x128xf32, #tpu.memory_space<vmem>> -> memref<1x128x128xf32, #tpu.memory_space<vmem>>
      %dma_wait3A_174 = tpu.memref_squeeze %dma_wait3A_173 : memref<1x128x128xf32, #tpu.memory_space<vmem>> -> memref<128x128xf32, #tpu.memory_space<vmem>>
      %dma_wait3A_175 = arith.constant 0 : i32
      %dma_wait3A_176 = arith.constant 0 : i32
      %dma_wait3A_177 = tpu.memref_slice %arg2[%dma_wait3A_175, %dma_wait3A_176] : memref<320000x128xf32, #tpu.memory_space<hbm>> -> memref<128x128xf32, #tpu.memory_space<hbm>>
      tpu.wait_dma2 semaphore(%dma_wait3A_170 : memref<!tpu.dma_semaphore, #tpu.memory_space<semaphore_mem>>) src(%dma_wait3A_177 : memref<128x128xf32, #tpu.memory_space<hbm>>) dst(%dma_wait3A_174 : memref<128x128xf32, #tpu.memory_space<vmem>>)
      "tpu.region"() ({
        %run_scoped3A = tpu.sem_alloc : memref<!tpu.dma_semaphore, #tpu.memory_space<semaphore_mem>>
        %dma_start3A_178 = arith.constant 0 : i32
        %dma_start3A_179 = arith.constant 0 : i32
        %dma_start3A_180 = tpu.memref_slice %arg7[%rem3A_150, %dma_start3A_178, %dma_start3A_179] : memref<3x128x128xf32, #tpu.memory_space<vmem>> -> memref<1x128x128xf32, #tpu.memory_space<vmem>>
        %dma_start3A_181 = tpu.memref_squeeze %dma_start3A_180 : memref<1x128x128xf32, #tpu.memory_space<vmem>> -> memref<128x128xf32, #tpu.memory_space<vmem>>
        %dma_start3A_182 = arith.constant 0 : i32
        %dma_start3A_183 = tpu.memref_slice %arg6[%rem3A_150, %dma_start3A_182] : memref<3x128xi32, #tpu.memory_space<vmem>> -> memref<1x128xi32, #tpu.memory_space<vmem>>
        %dma_start3A_184 = tpu.memref_squeeze %dma_start3A_183 : memref<1x128xi32, #tpu.memory_space<vmem>> -> memref<128xi32, #tpu.memory_space<vmem>>
        %dma_start3A_185 = arith.constant 0 : i32
        %dma_start3A_186 = arith.constant 0 : i32
        %dma_start3A_187 = tpu.memref_slice %arg8[%dma_start3A_185, %dma_start3A_186] : memref<10000x128xf32, #tpu.memory_space<vmem_shared>> -> memref<10000x128xf32, #tpu.memory_space<vmem_shared>>
        tpu.enqueue_indirect_dma source(%dma_start3A_181 : memref<128x128xf32, #tpu.memory_space<vmem>>) target(%dma_start3A_187 : memref<10000x128xf32, #tpu.memory_space<vmem_shared>>) offsets(%dma_start3A_184 : memref<128xi32, #tpu.memory_space<vmem>>) semaphore(%run_scoped3A : memref<!tpu.dma_semaphore, #tpu.memory_space<semaphore_mem>>) {add = true}
        %dma_wait3A_188 = arith.constant 0 : i32
        %dma_wait3A_189 = arith.constant 0 : i32
        %dma_wait3A_190 = tpu.memref_slice %arg7[%rem3A_150, %dma_wait3A_188, %dma_wait3A_189] : memref<3x128x128xf32, #tpu.memory_space<vmem>> -> memref<1x128x128xf32, #tpu.memory_space<vmem>>
        %dma_wait3A_191 = tpu.memref_squeeze %dma_wait3A_190 : memref<1x128x128xf32, #tpu.memory_space<vmem>> -> memref<128x128xf32, #tpu.memory_space<vmem>>
        %dma_wait3A_192 = arith.constant 0 : i32
        %dma_wait3A_193 = tpu.memref_slice %arg6[%rem3A_150, %dma_wait3A_192] : memref<3x128xi32, #tpu.memory_space<vmem>> -> memref<1x128xi32, #tpu.memory_space<vmem>>
        %dma_wait3A_194 = tpu.memref_squeeze %dma_wait3A_193 : memref<1x128xi32, #tpu.memory_space<vmem>> -> memref<128xi32, #tpu.memory_space<vmem>>
        %dma_wait3A_195 = arith.constant 0 : i32
        %dma_wait3A_196 = arith.constant 0 : i32
        %dma_wait3A_197 = tpu.memref_slice %arg8[%dma_wait3A_195, %dma_wait3A_196] : memref<10000x128xf32, #tpu.memory_space<vmem_shared>> -> memref<10000x128xf32, #tpu.memory_space<vmem_shared>>
        tpu.wait_indirect_dma semaphore(%run_scoped3A : memref<!tpu.dma_semaphore, #tpu.memory_space<semaphore_mem>>) src(%dma_wait3A_191 : memref<128x128xf32, #tpu.memory_space<vmem>>) dst(%dma_wait3A_197 : memref<10000x128xf32, #tpu.memory_space<vmem_shared>>)
        tpu.yield
      }) : () -> ()
    }
    %barrier3A_139 = arith.constant 0 : index
    tpu.barrier barrier_id(%barrier3A_139)
    %mul3A_140 = arith.constant 624 : i32
    %mul3A_141 = arith.muli %arg1, %mul3A_140 : i32
    %mul3A_142 = arith.constant 624 : i32
    %mul3A_143 = arith.muli %arg1, %mul3A_142 : i32
    "tpu.region"() ({
      %run_scoped3A = tpu.sem_alloc : memref<!tpu.dma_semaphore, #tpu.memory_space<semaphore_mem>>
      %dma_start3A_149 = arith.constant 0 : i32
      %dma_start3A_150 = tpu.memref_slice %arg5[%arg0, %mul3A_143, %dma_start3A_149] : memref<2x10000x128xf32, #tpu.memory_space<hbm>> -> memref<1x624x128xf32, #tpu.memory_space<hbm>>
      %dma_start3A_151 = tpu.memref_squeeze %dma_start3A_150 : memref<1x624x128xf32, #tpu.memory_space<hbm>> -> memref<624x128xf32, #tpu.memory_space<hbm>>
      %dma_start3A_152 = arith.constant 0 : i32
      %dma_start3A_153 = tpu.memref_slice %arg8[%mul3A_141, %dma_start3A_152] : memref<10000x128xf32, #tpu.memory_space<vmem_shared>> -> memref<624x128xf32, #tpu.memory_space<vmem_shared>>
      tpu.enqueue_dma source(%dma_start3A_153 : memref<624x128xf32, #tpu.memory_space<vmem_shared>>) target(%dma_start3A_151 : memref<624x128xf32, #tpu.memory_space<hbm>>) target_semaphore(%run_scoped3A : memref<!tpu.dma_semaphore, #tpu.memory_space<semaphore_mem>>)
      %dma_wait3A = arith.constant 0 : i32
      %dma_wait3A_154 = tpu.memref_slice %arg5[%arg0, %mul3A_143, %dma_wait3A] : memref<2x10000x128xf32, #tpu.memory_space<hbm>> -> memref<1x624x128xf32, #tpu.memory_space<hbm>>
      %dma_wait3A_155 = tpu.memref_squeeze %dma_wait3A_154 : memref<1x624x128xf32, #tpu.memory_space<hbm>> -> memref<624x128xf32, #tpu.memory_space<hbm>>
      %dma_wait3A_156 = arith.constant 0 : i32
      %dma_wait3A_157 = tpu.memref_slice %arg8[%mul3A_141, %dma_wait3A_156] : memref<10000x128xf32, #tpu.memory_space<vmem_shared>> -> memref<624x128xf32, #tpu.memory_space<vmem_shared>>
      tpu.wait_dma2 semaphore(%run_scoped3A : memref<!tpu.dma_semaphore, #tpu.memory_space<semaphore_mem>>) src(%dma_wait3A_157 : memref<624x128xf32, #tpu.memory_space<vmem_shared>>) dst(%dma_wait3A_155 : memref<624x128xf32, #tpu.memory_space<hbm>>)
      tpu.yield
    }) : () -> ()
    %eq3A_144 = arith.constant 15 : i32
    %eq3A_145 = arith.cmpi eq, %arg1, %eq3A_144 : i32
    %convert_element_type3A_146 = arith.extui %eq3A_145 : i1 to i32
    %cond3A_147 = arith.constant 0 : i32
    %cond3A_148 = arith.cmpi ne, %convert_element_type3A_146, %cond3A_147 : i32
    scf.if %cond3A_148 {
      "tpu.region"() ({
        %run_scoped3A = tpu.sem_alloc : memref<!tpu.dma_semaphore, #tpu.memory_space<semaphore_mem>>
        %dma_start3A_149 = arith.constant 9984 : i32
        %dma_start3A_150 = arith.constant 0 : i32
        %dma_start3A_151 = tpu.memref_slice %arg5[%arg0, %dma_start3A_149, %dma_start3A_150] : memref<2x10000x128xf32, #tpu.memory_space<hbm>> -> memref<1x16x128xf32, #tpu.memory_space<hbm>>
        %dma_start3A_152 = tpu.memref_squeeze %dma_start3A_151 : memref<1x16x128xf32, #tpu.memory_space<hbm>> -> memref<16x128xf32, #tpu.memory_space<hbm>>
        %dma_start3A_153 = arith.constant 9984 : i32
        %dma_start3A_154 = arith.constant 0 : i32
        %dma_start3A_155 = tpu.memref_slice %arg8[%dma_start3A_153, %dma_start3A_154] : memref<10000x128xf32, #tpu.memory_space<vmem_shared>> -> memref<16x128xf32, #tpu.memory_space<vmem_shared>>
        tpu.enqueue_dma source(%dma_start3A_155 : memref<16x128xf32, #tpu.memory_space<vmem_shared>>) target(%dma_start3A_152 : memref<16x128xf32, #tpu.memory_space<hbm>>) target_semaphore(%run_scoped3A : memref<!tpu.dma_semaphore, #tpu.memory_space<semaphore_mem>>)
        %dma_wait3A = arith.constant 9984 : i32
        %dma_wait3A_156 = arith.constant 0 : i32
        %dma_wait3A_157 = tpu.memref_slice %arg5[%arg0, %dma_wait3A, %dma_wait3A_156] : memref<2x10000x128xf32, #tpu.memory_space<hbm>> -> memref<1x16x128xf32, #tpu.memory_space<hbm>>
        %dma_wait3A_158 = tpu.memref_squeeze %dma_wait3A_157 : memref<1x16x128xf32, #tpu.memory_space<hbm>> -> memref<16x128xf32, #tpu.memory_space<hbm>>
        %dma_wait3A_159 = arith.constant 9984 : i32
        %dma_wait3A_160 = arith.constant 0 : i32
        %dma_wait3A_161 = tpu.memref_slice %arg8[%dma_wait3A_159, %dma_wait3A_160] : memref<10000x128xf32, #tpu.memory_space<vmem_shared>> -> memref<16x128xf32, #tpu.memory_space<vmem_shared>>
        tpu.wait_dma2 semaphore(%run_scoped3A : memref<!tpu.dma_semaphore, #tpu.memory_space<semaphore_mem>>) src(%dma_wait3A_161 : memref<16x128xf32, #tpu.memory_space<vmem_shared>>) dst(%dma_wait3A_158 : memref<16x128xf32, #tpu.memory_space<hbm>>)
        tpu.yield
      }) : () -> ()
    } else {
    }
    return
  }
}

module attributes {stable_mosaic.version = 14 : i64} {
  func.func @_tc_seg_body(%arg0: i32, %arg1: memref<88xi32, #tpu.memory_space<smem>>, %arg2: memref<88xi32, #tpu.memory_space<smem>>, %arg3: memref<8x1x128xi32, #tpu.memory_space<vmem>>, %arg4: memref<1024x128xf32, #tpu.memory_space<vmem>>, %arg5: memref<10192x128xf32, #tpu.memory_space<vmem>>) attributes {dimension_semantics = [#tpu.dimension_semantics<arbitrary>], iteration_bounds = array<i64: 88>, scalar_prefetch = 0 : i64, scratch_operands = 0 : i64, tpu.core_type = #tpu.core_type<tc>, window_params = [{transform_indices = @transform_0, window_bounds = array<i64: 88>}, {transform_indices = @transform_1, window_bounds = array<i64: 88>}, {transform_indices = @transform_2, window_bounds = array<i64: 8, 1, 128>}, {transform_indices = @transform_3, window_bounds = array<i64: 1024, 128>}, {pipeline_mode = #tpu.pipeline_mode<synchronous>, transform_indices = @transform_4, window_bounds = array<i64: 10192, 128>}]} {
    %eq3A = arith.constant 0 : i32
    %eq3A_0 = arith.cmpi eq, %arg0, %eq3A : i32
    %convert_element_type3A = arith.extui %eq3A_0 : i1 to i32
    %cond3A = arith.constant 0 : i32
    %cond3A_1 = arith.cmpi ne, %convert_element_type3A, %cond3A : i32
    scf.if %cond3A_1 {
      %broadcast_in_dim3A = arith.constant 0.000000e+00 : f32
      %broadcast_in_dim3A_14 = vector.broadcast %broadcast_in_dim3A : f32 to vector<10192x128xf32>
      %swap3A = arith.constant 0 : index
      %swap3A_15 = arith.constant 0 : index
      %swap3A_16 = vector.load %arg5[%swap3A, %swap3A_15] : memref<10192x128xf32, #tpu.memory_space<vmem>>, vector<10192x128xf32>
      tpu.vector_store %arg5[%swap3A, %swap3A_15], %broadcast_in_dim3A_14 {strides = array<i32>} : memref<10192x128xf32, #tpu.memory_space<vmem>>, vector<10192x128xf32>,
    } else {
    }
    %get3A = arith.index_cast %arg0 : i32 to index
    %get3A_2 = memref.load %arg1[%get3A] : memref<88xi32, #tpu.memory_space<smem>>
    %get3A_3 = arith.index_cast %arg0 : i32 to index
    %get3A_4 = memref.load %arg2[%get3A_3] : memref<88xi32, #tpu.memory_space<smem>>
    %while3A = arith.constant 0 : i32
    %while3A_5 = arith.constant 0 : i32
    %while3A_6 = arith.subi %get3A_4, %while3A_5 : i32
    %while3A_7 = arith.addi %while3A_5, %while3A_6 : i32
    %while3A_8 = arith.constant 1 : i32
    %while3A_9 = arith.divsi %while3A_6, %while3A_8 : i32
    %while3A_10 = arith.muli %while3A_9, %while3A_8 : i32
    %while3A_11 = arith.addi %while3A_5, %while3A_10 : i32
    %while3A_12 = arith.constant 1 : i32
    scf.for %while3A_14 = %while3A_5 to %while3A_11 step %while3A_12  : i32 {
      %mul3A = arith.constant 64 : i32
      %mul3A_15 = arith.muli %while3A_14, %mul3A : i32
      %add3A = arith.addi %get3A_2, %mul3A_15 : i32
      %multiple_of3A = tpu.assume_multiple %add3A, 8 : i32
      %broadcast_in_dim3A = arith.constant 0.000000e+00 : f32
      %broadcast_in_dim3A_16 = vector.broadcast %broadcast_in_dim3A : f32 to vector<64x128xf32>
      %get3A_17 = arith.constant 0 : index
      %get3A_18 = arith.constant 0 : index
      %get3A_19 = arith.constant 0 : index
      %get3A_20 = vector.load %arg3[%get3A_17, %get3A_18, %get3A_19] : memref<8x1x128xi32, #tpu.memory_space<vmem>>, vector<1x1x128xi32>
      %get3A_21 = vector.shape_cast %get3A_20 : vector<1x1x128xi32> to vector<1x128xi32>
      %sub3A = vector.broadcast %multiple_of3A : i32 to vector<1x128xi32>
      %sub3A_22 = arith.subi %get3A_21, %sub3A : vector<1x128xi32>
      %iota3A = tpu.iota {dimensions = array<i32: 0>} : vector<64x128xi32>
      %eq3A_23 = vector.broadcast %sub3A_22 : vector<1x128xi32> to vector<64x128xi32>
      %eq3A_24 = arith.cmpi eq, %iota3A, %eq3A_23 : vector<64x128xi32>
      %convert_element_type3A_25 = arith.extui %eq3A_24 : vector<64x128xi1> to vector<64x128xi32>
      %convert_element_type3A_26 = arith.sitofp %convert_element_type3A_25 : vector<64x128xi32> to vector<64x128xf32>
      %convert_element_type3A_27 = arith.truncf %convert_element_type3A_26 : vector<64x128xf32> to vector<64x128xbf16>
      %get3A_28 = arith.constant 0 : index
      %get3A_29 = arith.constant 0 : index
      %get3A_30 = vector.load %arg4[%get3A_28, %get3A_29] : memref<1024x128xf32, #tpu.memory_space<vmem>>, vector<128x128xf32>
      %convert_element_type3A_31 = arith.truncf %get3A_30 : vector<128x128xf32> to vector<128x128xbf16>
      %dot_general3A = arith.constant dense<0.000000e+00> : vector<64x128xf32>
      %dot_general3A_32 = tpu.matmul %convert_element_type3A_27, %convert_element_type3A_31, %dot_general3A {dimension_numbers = #tpu.dot_dimension_numbers<[1], [0], [0], [1], [0, 0, 1, 1], [], []>, transpose_lhs_hint = false} : vector<64x128xbf16>, vector<128x128xbf16>, vector<64x128xf32> -> vector<64x128xf32>
      %add3A_33 = arith.addf %broadcast_in_dim3A_16, %dot_general3A_32 : vector<64x128xf32>
      %get3A_34 = arith.constant 1 : index
      %get3A_35 = arith.constant 0 : index
      %get3A_36 = arith.constant 0 : index
      %get3A_37 = vector.load %arg3[%get3A_34, %get3A_35, %get3A_36] : memref<8x1x128xi32, #tpu.memory_space<vmem>>, vector<1x1x128xi32>
      %get3A_38 = vector.shape_cast %get3A_37 : vector<1x1x128xi32> to vector<1x128xi32>
      %sub3A_39 = vector.broadcast %multiple_of3A : i32 to vector<1x128xi32>
      %sub3A_40 = arith.subi %get3A_38, %sub3A_39 : vector<1x128xi32>
      %iota3A_41 = tpu.iota {dimensions = array<i32: 0>} : vector<64x128xi32>
      %eq3A_42 = vector.broadcast %sub3A_40 : vector<1x128xi32> to vector<64x128xi32>
      %eq3A_43 = arith.cmpi eq, %iota3A_41, %eq3A_42 : vector<64x128xi32>
      %convert_element_type3A_44 = arith.extui %eq3A_43 : vector<64x128xi1> to vector<64x128xi32>
      %convert_element_type3A_45 = arith.sitofp %convert_element_type3A_44 : vector<64x128xi32> to vector<64x128xf32>
      %convert_element_type3A_46 = arith.truncf %convert_element_type3A_45 : vector<64x128xf32> to vector<64x128xbf16>
      %get3A_47 = arith.constant 128 : index
      %get3A_48 = arith.constant 0 : index
      %get3A_49 = vector.load %arg4[%get3A_47, %get3A_48] : memref<1024x128xf32, #tpu.memory_space<vmem>>, vector<128x128xf32>
      %convert_element_type3A_50 = arith.truncf %get3A_49 : vector<128x128xf32> to vector<128x128xbf16>
      %dot_general3A_51 = arith.constant dense<0.000000e+00> : vector<64x128xf32>
      %dot_general3A_52 = tpu.matmul %convert_element_type3A_46, %convert_element_type3A_50, %dot_general3A_51 {dimension_numbers = #tpu.dot_dimension_numbers<[1], [0], [0], [1], [0, 0, 1, 1], [], []>, transpose_lhs_hint = false} : vector<64x128xbf16>, vector<128x128xbf16>, vector<64x128xf32> -> vector<64x128xf32>
      %add3A_53 = arith.addf %add3A_33, %dot_general3A_52 : vector<64x128xf32>
      %get3A_54 = arith.constant 2 : index
      %get3A_55 = arith.constant 0 : index
      %get3A_56 = arith.constant 0 : index
      %get3A_57 = vector.load %arg3[%get3A_54, %get3A_55, %get3A_56] : memref<8x1x128xi32, #tpu.memory_space<vmem>>, vector<1x1x128xi32>
      %get3A_58 = vector.shape_cast %get3A_57 : vector<1x1x128xi32> to vector<1x128xi32>
      %sub3A_59 = vector.broadcast %multiple_of3A : i32 to vector<1x128xi32>
      %sub3A_60 = arith.subi %get3A_58, %sub3A_59 : vector<1x128xi32>
      %iota3A_61 = tpu.iota {dimensions = array<i32: 0>} : vector<64x128xi32>
      %eq3A_62 = vector.broadcast %sub3A_60 : vector<1x128xi32> to vector<64x128xi32>
      %eq3A_63 = arith.cmpi eq, %iota3A_61, %eq3A_62 : vector<64x128xi32>
      %convert_element_type3A_64 = arith.extui %eq3A_63 : vector<64x128xi1> to vector<64x128xi32>
      %convert_element_type3A_65 = arith.sitofp %convert_element_type3A_64 : vector<64x128xi32> to vector<64x128xf32>
      %convert_element_type3A_66 = arith.truncf %convert_element_type3A_65 : vector<64x128xf32> to vector<64x128xbf16>
      %get3A_67 = arith.constant 256 : index
      %get3A_68 = arith.constant 0 : index
      %get3A_69 = vector.load %arg4[%get3A_67, %get3A_68] : memref<1024x128xf32, #tpu.memory_space<vmem>>, vector<128x128xf32>
      %convert_element_type3A_70 = arith.truncf %get3A_69 : vector<128x128xf32> to vector<128x128xbf16>
      %dot_general3A_71 = arith.constant dense<0.000000e+00> : vector<64x128xf32>
      %dot_general3A_72 = tpu.matmul %convert_element_type3A_66, %convert_element_type3A_70, %dot_general3A_71 {dimension_numbers = #tpu.dot_dimension_numbers<[1], [0], [0], [1], [0, 0, 1, 1], [], []>, transpose_lhs_hint = false} : vector<64x128xbf16>, vector<128x128xbf16>, vector<64x128xf32> -> vector<64x128xf32>
      %add3A_73 = arith.addf %add3A_53, %dot_general3A_72 : vector<64x128xf32>
      %get3A_74 = arith.constant 3 : index
      %get3A_75 = arith.constant 0 : index
      %get3A_76 = arith.constant 0 : index
      %get3A_77 = vector.load %arg3[%get3A_74, %get3A_75, %get3A_76] : memref<8x1x128xi32, #tpu.memory_space<vmem>>, vector<1x1x128xi32>
      %get3A_78 = vector.shape_cast %get3A_77 : vector<1x1x128xi32> to vector<1x128xi32>
      %sub3A_79 = vector.broadcast %multiple_of3A : i32 to vector<1x128xi32>
      %sub3A_80 = arith.subi %get3A_78, %sub3A_79 : vector<1x128xi32>
      %iota3A_81 = tpu.iota {dimensions = array<i32: 0>} : vector<64x128xi32>
      %eq3A_82 = vector.broadcast %sub3A_80 : vector<1x128xi32> to vector<64x128xi32>
      %eq3A_83 = arith.cmpi eq, %iota3A_81, %eq3A_82 : vector<64x128xi32>
      %convert_element_type3A_84 = arith.extui %eq3A_83 : vector<64x128xi1> to vector<64x128xi32>
      %convert_element_type3A_85 = arith.sitofp %convert_element_type3A_84 : vector<64x128xi32> to vector<64x128xf32>
      %convert_element_type3A_86 = arith.truncf %convert_element_type3A_85 : vector<64x128xf32> to vector<64x128xbf16>
      %get3A_87 = arith.constant 384 : index
      %get3A_88 = arith.constant 0 : index
      %get3A_89 = vector.load %arg4[%get3A_87, %get3A_88] : memref<1024x128xf32, #tpu.memory_space<vmem>>, vector<128x128xf32>
      %convert_element_type3A_90 = arith.truncf %get3A_89 : vector<128x128xf32> to vector<128x128xbf16>
      %dot_general3A_91 = arith.constant dense<0.000000e+00> : vector<64x128xf32>
      %dot_general3A_92 = tpu.matmul %convert_element_type3A_86, %convert_element_type3A_90, %dot_general3A_91 {dimension_numbers = #tpu.dot_dimension_numbers<[1], [0], [0], [1], [0, 0, 1, 1], [], []>, transpose_lhs_hint = false} : vector<64x128xbf16>, vector<128x128xbf16>, vector<64x128xf32> -> vector<64x128xf32>
      %add3A_93 = arith.addf %add3A_73, %dot_general3A_92 : vector<64x128xf32>
      %get3A_94 = arith.constant 4 : index
      %get3A_95 = arith.constant 0 : index
      %get3A_96 = arith.constant 0 : index
      %get3A_97 = vector.load %arg3[%get3A_94, %get3A_95, %get3A_96] : memref<8x1x128xi32, #tpu.memory_space<vmem>>, vector<1x1x128xi32>
      %get3A_98 = vector.shape_cast %get3A_97 : vector<1x1x128xi32> to vector<1x128xi32>
      %sub3A_99 = vector.broadcast %multiple_of3A : i32 to vector<1x128xi32>
      %sub3A_100 = arith.subi %get3A_98, %sub3A_99 : vector<1x128xi32>
      %iota3A_101 = tpu.iota {dimensions = array<i32: 0>} : vector<64x128xi32>
      %eq3A_102 = vector.broadcast %sub3A_100 : vector<1x128xi32> to vector<64x128xi32>
      %eq3A_103 = arith.cmpi eq, %iota3A_101, %eq3A_102 : vector<64x128xi32>
      %convert_element_type3A_104 = arith.extui %eq3A_103 : vector<64x128xi1> to vector<64x128xi32>
      %convert_element_type3A_105 = arith.sitofp %convert_element_type3A_104 : vector<64x128xi32> to vector<64x128xf32>
      %convert_element_type3A_106 = arith.truncf %convert_element_type3A_105 : vector<64x128xf32> to vector<64x128xbf16>
      %get3A_107 = arith.constant 512 : index
      %get3A_108 = arith.constant 0 : index
      %get3A_109 = vector.load %arg4[%get3A_107, %get3A_108] : memref<1024x128xf32, #tpu.memory_space<vmem>>, vector<128x128xf32>
      %convert_element_type3A_110 = arith.truncf %get3A_109 : vector<128x128xf32> to vector<128x128xbf16>
      %dot_general3A_111 = arith.constant dense<0.000000e+00> : vector<64x128xf32>
      %dot_general3A_112 = tpu.matmul %convert_element_type3A_106, %convert_element_type3A_110, %dot_general3A_111 {dimension_numbers = #tpu.dot_dimension_numbers<[1], [0], [0], [1], [0, 0, 1, 1], [], []>, transpose_lhs_hint = false} : vector<64x128xbf16>, vector<128x128xbf16>, vector<64x128xf32> -> vector<64x128xf32>
      %add3A_113 = arith.addf %add3A_93, %dot_general3A_112 : vector<64x128xf32>
      %get3A_114 = arith.constant 5 : index
      %get3A_115 = arith.constant 0 : index
      %get3A_116 = arith.constant 0 : index
      %get3A_117 = vector.load %arg3[%get3A_114, %get3A_115, %get3A_116] : memref<8x1x128xi32, #tpu.memory_space<vmem>>, vector<1x1x128xi32>
      %get3A_118 = vector.shape_cast %get3A_117 : vector<1x1x128xi32> to vector<1x128xi32>
      %sub3A_119 = vector.broadcast %multiple_of3A : i32 to vector<1x128xi32>
      %sub3A_120 = arith.subi %get3A_118, %sub3A_119 : vector<1x128xi32>
      %iota3A_121 = tpu.iota {dimensions = array<i32: 0>} : vector<64x128xi32>
      %eq3A_122 = vector.broadcast %sub3A_120 : vector<1x128xi32> to vector<64x128xi32>
      %eq3A_123 = arith.cmpi eq, %iota3A_121, %eq3A_122 : vector<64x128xi32>
      %convert_element_type3A_124 = arith.extui %eq3A_123 : vector<64x128xi1> to vector<64x128xi32>
      %convert_element_type3A_125 = arith.sitofp %convert_element_type3A_124 : vector<64x128xi32> to vector<64x128xf32>
      %convert_element_type3A_126 = arith.truncf %convert_element_type3A_125 : vector<64x128xf32> to vector<64x128xbf16>
      %get3A_127 = arith.constant 640 : index
      %get3A_128 = arith.constant 0 : index
      %get3A_129 = vector.load %arg4[%get3A_127, %get3A_128] : memref<1024x128xf32, #tpu.memory_space<vmem>>, vector<128x128xf32>
      %convert_element_type3A_130 = arith.truncf %get3A_129 : vector<128x128xf32> to vector<128x128xbf16>
      %dot_general3A_131 = arith.constant dense<0.000000e+00> : vector<64x128xf32>
      %dot_general3A_132 = tpu.matmul %convert_element_type3A_126, %convert_element_type3A_130, %dot_general3A_131 {dimension_numbers = #tpu.dot_dimension_numbers<[1], [0], [0], [1], [0, 0, 1, 1], [], []>, transpose_lhs_hint = false} : vector<64x128xbf16>, vector<128x128xbf16>, vector<64x128xf32> -> vector<64x128xf32>
      %add3A_133 = arith.addf %add3A_113, %dot_general3A_132 : vector<64x128xf32>
      %get3A_134 = arith.constant 6 : index
      %get3A_135 = arith.constant 0 : index
      %get3A_136 = arith.constant 0 : index
      %get3A_137 = vector.load %arg3[%get3A_134, %get3A_135, %get3A_136] : memref<8x1x128xi32, #tpu.memory_space<vmem>>, vector<1x1x128xi32>
      %get3A_138 = vector.shape_cast %get3A_137 : vector<1x1x128xi32> to vector<1x128xi32>
      %sub3A_139 = vector.broadcast %multiple_of3A : i32 to vector<1x128xi32>
      %sub3A_140 = arith.subi %get3A_138, %sub3A_139 : vector<1x128xi32>
      %iota3A_141 = tpu.iota {dimensions = array<i32: 0>} : vector<64x128xi32>
      %eq3A_142 = vector.broadcast %sub3A_140 : vector<1x128xi32> to vector<64x128xi32>
      %eq3A_143 = arith.cmpi eq, %iota3A_141, %eq3A_142 : vector<64x128xi32>
      %convert_element_type3A_144 = arith.extui %eq3A_143 : vector<64x128xi1> to vector<64x128xi32>
      %convert_element_type3A_145 = arith.sitofp %convert_element_type3A_144 : vector<64x128xi32> to vector<64x128xf32>
      %convert_element_type3A_146 = arith.truncf %convert_element_type3A_145 : vector<64x128xf32> to vector<64x128xbf16>
      %get3A_147 = arith.constant 768 : index
      %get3A_148 = arith.constant 0 : index
      %get3A_149 = vector.load %arg4[%get3A_147, %get3A_148] : memref<1024x128xf32, #tpu.memory_space<vmem>>, vector<128x128xf32>
      %convert_element_type3A_150 = arith.truncf %get3A_149 : vector<128x128xf32> to vector<128x128xbf16>
      %dot_general3A_151 = arith.constant dense<0.000000e+00> : vector<64x128xf32>
      %dot_general3A_152 = tpu.matmul %convert_element_type3A_146, %convert_element_type3A_150, %dot_general3A_151 {dimension_numbers = #tpu.dot_dimension_numbers<[1], [0], [0], [1], [0, 0, 1, 1], [], []>, transpose_lhs_hint = false} : vector<64x128xbf16>, vector<128x128xbf16>, vector<64x128xf32> -> vector<64x128xf32>
      %add3A_153 = arith.addf %add3A_133, %dot_general3A_152 : vector<64x128xf32>
      %get3A_154 = arith.constant 7 : index
      %get3A_155 = arith.constant 0 : index
      %get3A_156 = arith.constant 0 : index
      %get3A_157 = vector.load %arg3[%get3A_154, %get3A_155, %get3A_156] : memref<8x1x128xi32, #tpu.memory_space<vmem>>, vector<1x1x128xi32>
      %get3A_158 = vector.shape_cast %get3A_157 : vector<1x1x128xi32> to vector<1x128xi32>
      %sub3A_159 = vector.broadcast %multiple_of3A : i32 to vector<1x128xi32>
      %sub3A_160 = arith.subi %get3A_158, %sub3A_159 : vector<1x128xi32>
      %iota3A_161 = tpu.iota {dimensions = array<i32: 0>} : vector<64x128xi32>
      %eq3A_162 = vector.broadcast %sub3A_160 : vector<1x128xi32> to vector<64x128xi32>
      %eq3A_163 = arith.cmpi eq, %iota3A_161, %eq3A_162 : vector<64x128xi32>
      %convert_element_type3A_164 = arith.extui %eq3A_163 : vector<64x128xi1> to vector<64x128xi32>
      %convert_element_type3A_165 = arith.sitofp %convert_element_type3A_164 : vector<64x128xi32> to vector<64x128xf32>
      %convert_element_type3A_166 = arith.truncf %convert_element_type3A_165 : vector<64x128xf32> to vector<64x128xbf16>
      %get3A_167 = arith.constant 896 : index
      %get3A_168 = arith.constant 0 : index
      %get3A_169 = vector.load %arg4[%get3A_167, %get3A_168] : memref<1024x128xf32, #tpu.memory_space<vmem>>, vector<128x128xf32>
      %convert_element_type3A_170 = arith.truncf %get3A_169 : vector<128x128xf32> to vector<128x128xbf16>
      %dot_general3A_171 = arith.constant dense<0.000000e+00> : vector<64x128xf32>
      %dot_general3A_172 = tpu.matmul %convert_element_type3A_166, %convert_element_type3A_170, %dot_general3A_171 {dimension_numbers = #tpu.dot_dimension_numbers<[1], [0], [0], [1], [0, 0, 1, 1], [], []>, transpose_lhs_hint = false} : vector<64x128xbf16>, vector<128x128xbf16>, vector<64x128xf32> -> vector<64x128xf32>
      %add3A_173 = arith.addf %add3A_153, %dot_general3A_172 : vector<64x128xf32>
      %get3A_174 = arith.index_cast %multiple_of3A : i32 to index
      %get3A_175 = arith.constant 0 : index
      %get3A_176 = vector.load %arg5[%get3A_174, %get3A_175] : memref<10192x128xf32, #tpu.memory_space<vmem>>, vector<64x128xf32>
      %add3A_177 = arith.addf %get3A_176, %add3A_173 : vector<64x128xf32>
      %swap3A = arith.index_cast %multiple_of3A : i32 to index
      %swap3A_178 = arith.constant 0 : index
      %swap3A_179 = vector.load %arg5[%swap3A, %swap3A_178] : memref<10192x128xf32, #tpu.memory_space<vmem>>, vector<64x128xf32>
      tpu.vector_store %arg5[%swap3A, %swap3A_178], %add3A_177 {strides = array<i32>} : memref<10192x128xf32, #tpu.memory_space<vmem>>, vector<64x128xf32>,
    }
    %while3A_13 = arith.constant 1 : i32
    scf.for %while3A_14 = %while3A_11 to %while3A_7 step %while3A_13  : i32 {
      %mul3A = arith.constant 64 : i32
      %mul3A_15 = arith.muli %while3A_14, %mul3A : i32
      %add3A = arith.addi %get3A_2, %mul3A_15 : i32
      %multiple_of3A = tpu.assume_multiple %add3A, 8 : i32
      %broadcast_in_dim3A = arith.constant 0.000000e+00 : f32
      %broadcast_in_dim3A_16 = vector.broadcast %broadcast_in_dim3A : f32 to vector<64x128xf32>
      %get3A_17 = arith.constant 0 : index
      %get3A_18 = arith.constant 0 : index
      %get3A_19 = arith.constant 0 : index
      %get3A_20 = vector.load %arg3[%get3A_17, %get3A_18, %get3A_19] : memref<8x1x128xi32, #tpu.memory_space<vmem>>, vector<1x1x128xi32>
      %get3A_21 = vector.shape_cast %get3A_20 : vector<1x1x128xi32> to vector<1x128xi32>
      %sub3A = vector.broadcast %multiple_of3A : i32 to vector<1x128xi32>
      %sub3A_22 = arith.subi %get3A_21, %sub3A : vector<1x128xi32>
      %iota3A = tpu.iota {dimensions = array<i32: 0>} : vector<64x128xi32>
      %eq3A_23 = vector.broadcast %sub3A_22 : vector<1x128xi32> to vector<64x128xi32>
      %eq3A_24 = arith.cmpi eq, %iota3A, %eq3A_23 : vector<64x128xi32>
      %convert_element_type3A_25 = arith.extui %eq3A_24 : vector<64x128xi1> to vector<64x128xi32>
      %convert_element_type3A_26 = arith.sitofp %convert_element_type3A_25 : vector<64x128xi32> to vector<64x128xf32>
      %convert_element_type3A_27 = arith.truncf %convert_element_type3A_26 : vector<64x128xf32> to vector<64x128xbf16>
      %get3A_28 = arith.constant 0 : index
      %get3A_29 = arith.constant 0 : index
      %get3A_30 = vector.load %arg4[%get3A_28, %get3A_29] : memref<1024x128xf32, #tpu.memory_space<vmem>>, vector<128x128xf32>
      %convert_element_type3A_31 = arith.truncf %get3A_30 : vector<128x128xf32> to vector<128x128xbf16>
      %dot_general3A = arith.constant dense<0.000000e+00> : vector<64x128xf32>
      %dot_general3A_32 = tpu.matmul %convert_element_type3A_27, %convert_element_type3A_31, %dot_general3A {dimension_numbers = #tpu.dot_dimension_numbers<[1], [0], [0], [1], [0, 0, 1, 1], [], []>, transpose_lhs_hint = false} : vector<64x128xbf16>, vector<128x128xbf16>, vector<64x128xf32> -> vector<64x128xf32>
      %add3A_33 = arith.addf %broadcast_in_dim3A_16, %dot_general3A_32 : vector<64x128xf32>
      %get3A_34 = arith.constant 1 : index
      %get3A_35 = arith.constant 0 : index
      %get3A_36 = arith.constant 0 : index
      %get3A_37 = vector.load %arg3[%get3A_34, %get3A_35, %get3A_36] : memref<8x1x128xi32, #tpu.memory_space<vmem>>, vector<1x1x128xi32>
      %get3A_38 = vector.shape_cast %get3A_37 : vector<1x1x128xi32> to vector<1x128xi32>
      %sub3A_39 = vector.broadcast %multiple_of3A : i32 to vector<1x128xi32>
      %sub3A_40 = arith.subi %get3A_38, %sub3A_39 : vector<1x128xi32>
      %iota3A_41 = tpu.iota {dimensions = array<i32: 0>} : vector<64x128xi32>
      %eq3A_42 = vector.broadcast %sub3A_40 : vector<1x128xi32> to vector<64x128xi32>
      %eq3A_43 = arith.cmpi eq, %iota3A_41, %eq3A_42 : vector<64x128xi32>
      %convert_element_type3A_44 = arith.extui %eq3A_43 : vector<64x128xi1> to vector<64x128xi32>
      %convert_element_type3A_45 = arith.sitofp %convert_element_type3A_44 : vector<64x128xi32> to vector<64x128xf32>
      %convert_element_type3A_46 = arith.truncf %convert_element_type3A_45 : vector<64x128xf32> to vector<64x128xbf16>
      %get3A_47 = arith.constant 128 : index
      %get3A_48 = arith.constant 0 : index
      %get3A_49 = vector.load %arg4[%get3A_47, %get3A_48] : memref<1024x128xf32, #tpu.memory_space<vmem>>, vector<128x128xf32>
      %convert_element_type3A_50 = arith.truncf %get3A_49 : vector<128x128xf32> to vector<128x128xbf16>
      %dot_general3A_51 = arith.constant dense<0.000000e+00> : vector<64x128xf32>
      %dot_general3A_52 = tpu.matmul %convert_element_type3A_46, %convert_element_type3A_50, %dot_general3A_51 {dimension_numbers = #tpu.dot_dimension_numbers<[1], [0], [0], [1], [0, 0, 1, 1], [], []>, transpose_lhs_hint = false} : vector<64x128xbf16>, vector<128x128xbf16>, vector<64x128xf32> -> vector<64x128xf32>
      %add3A_53 = arith.addf %add3A_33, %dot_general3A_52 : vector<64x128xf32>
      %get3A_54 = arith.constant 2 : index
      %get3A_55 = arith.constant 0 : index
      %get3A_56 = arith.constant 0 : index
      %get3A_57 = vector.load %arg3[%get3A_54, %get3A_55, %get3A_56] : memref<8x1x128xi32, #tpu.memory_space<vmem>>, vector<1x1x128xi32>
      %get3A_58 = vector.shape_cast %get3A_57 : vector<1x1x128xi32> to vector<1x128xi32>
      %sub3A_59 = vector.broadcast %multiple_of3A : i32 to vector<1x128xi32>
      %sub3A_60 = arith.subi %get3A_58, %sub3A_59 : vector<1x128xi32>
      %iota3A_61 = tpu.iota {dimensions = array<i32: 0>} : vector<64x128xi32>
      %eq3A_62 = vector.broadcast %sub3A_60 : vector<1x128xi32> to vector<64x128xi32>
      %eq3A_63 = arith.cmpi eq, %iota3A_61, %eq3A_62 : vector<64x128xi32>
      %convert_element_type3A_64 = arith.extui %eq3A_63 : vector<64x128xi1> to vector<64x128xi32>
      %convert_element_type3A_65 = arith.sitofp %convert_element_type3A_64 : vector<64x128xi32> to vector<64x128xf32>
      %convert_element_type3A_66 = arith.truncf %convert_element_type3A_65 : vector<64x128xf32> to vector<64x128xbf16>
      %get3A_67 = arith.constant 256 : index
      %get3A_68 = arith.constant 0 : index
      %get3A_69 = vector.load %arg4[%get3A_67, %get3A_68] : memref<1024x128xf32, #tpu.memory_space<vmem>>, vector<128x128xf32>
      %convert_element_type3A_70 = arith.truncf %get3A_69 : vector<128x128xf32> to vector<128x128xbf16>
      %dot_general3A_71 = arith.constant dense<0.000000e+00> : vector<64x128xf32>
      %dot_general3A_72 = tpu.matmul %convert_element_type3A_66, %convert_element_type3A_70, %dot_general3A_71 {dimension_numbers = #tpu.dot_dimension_numbers<[1], [0], [0], [1], [0, 0, 1, 1], [], []>, transpose_lhs_hint = false} : vector<64x128xbf16>, vector<128x128xbf16>, vector<64x128xf32> -> vector<64x128xf32>
      %add3A_73 = arith.addf %add3A_53, %dot_general3A_72 : vector<64x128xf32>
      %get3A_74 = arith.constant 3 : index
      %get3A_75 = arith.constant 0 : index
      %get3A_76 = arith.constant 0 : index
      %get3A_77 = vector.load %arg3[%get3A_74, %get3A_75, %get3A_76] : memref<8x1x128xi32, #tpu.memory_space<vmem>>, vector<1x1x128xi32>
      %get3A_78 = vector.shape_cast %get3A_77 : vector<1x1x128xi32> to vector<1x128xi32>
      %sub3A_79 = vector.broadcast %multiple_of3A : i32 to vector<1x128xi32>
      %sub3A_80 = arith.subi %get3A_78, %sub3A_79 : vector<1x128xi32>
      %iota3A_81 = tpu.iota {dimensions = array<i32: 0>} : vector<64x128xi32>
      %eq3A_82 = vector.broadcast %sub3A_80 : vector<1x128xi32> to vector<64x128xi32>
      %eq3A_83 = arith.cmpi eq, %iota3A_81, %eq3A_82 : vector<64x128xi32>
      %convert_element_type3A_84 = arith.extui %eq3A_83 : vector<64x128xi1> to vector<64x128xi32>
      %convert_element_type3A_85 = arith.sitofp %convert_element_type3A_84 : vector<64x128xi32> to vector<64x128xf32>
      %convert_element_type3A_86 = arith.truncf %convert_element_type3A_85 : vector<64x128xf32> to vector<64x128xbf16>
      %get3A_87 = arith.constant 384 : index
      %get3A_88 = arith.constant 0 : index
      %get3A_89 = vector.load %arg4[%get3A_87, %get3A_88] : memref<1024x128xf32, #tpu.memory_space<vmem>>, vector<128x128xf32>
      %convert_element_type3A_90 = arith.truncf %get3A_89 : vector<128x128xf32> to vector<128x128xbf16>
      %dot_general3A_91 = arith.constant dense<0.000000e+00> : vector<64x128xf32>
      %dot_general3A_92 = tpu.matmul %convert_element_type3A_86, %convert_element_type3A_90, %dot_general3A_91 {dimension_numbers = #tpu.dot_dimension_numbers<[1], [0], [0], [1], [0, 0, 1, 1], [], []>, transpose_lhs_hint = false} : vector<64x128xbf16>, vector<128x128xbf16>, vector<64x128xf32> -> vector<64x128xf32>
      %add3A_93 = arith.addf %add3A_73, %dot_general3A_92 : vector<64x128xf32>
      %get3A_94 = arith.constant 4 : index
      %get3A_95 = arith.constant 0 : index
      %get3A_96 = arith.constant 0 : index
      %get3A_97 = vector.load %arg3[%get3A_94, %get3A_95, %get3A_96] : memref<8x1x128xi32, #tpu.memory_space<vmem>>, vector<1x1x128xi32>
      %get3A_98 = vector.shape_cast %get3A_97 : vector<1x1x128xi32> to vector<1x128xi32>
      %sub3A_99 = vector.broadcast %multiple_of3A : i32 to vector<1x128xi32>
      %sub3A_100 = arith.subi %get3A_98, %sub3A_99 : vector<1x128xi32>
      %iota3A_101 = tpu.iota {dimensions = array<i32: 0>} : vector<64x128xi32>
      %eq3A_102 = vector.broadcast %sub3A_100 : vector<1x128xi32> to vector<64x128xi32>
      %eq3A_103 = arith.cmpi eq, %iota3A_101, %eq3A_102 : vector<64x128xi32>
      %convert_element_type3A_104 = arith.extui %eq3A_103 : vector<64x128xi1> to vector<64x128xi32>
      %convert_element_type3A_105 = arith.sitofp %convert_element_type3A_104 : vector<64x128xi32> to vector<64x128xf32>
      %convert_element_type3A_106 = arith.truncf %convert_element_type3A_105 : vector<64x128xf32> to vector<64x128xbf16>
      %get3A_107 = arith.constant 512 : index
      %get3A_108 = arith.constant 0 : index
      %get3A_109 = vector.load %arg4[%get3A_107, %get3A_108] : memref<1024x128xf32, #tpu.memory_space<vmem>>, vector<128x128xf32>
      %convert_element_type3A_110 = arith.truncf %get3A_109 : vector<128x128xf32> to vector<128x128xbf16>
      %dot_general3A_111 = arith.constant dense<0.000000e+00> : vector<64x128xf32>
      %dot_general3A_112 = tpu.matmul %convert_element_type3A_106, %convert_element_type3A_110, %dot_general3A_111 {dimension_numbers = #tpu.dot_dimension_numbers<[1], [0], [0], [1], [0, 0, 1, 1], [], []>, transpose_lhs_hint = false} : vector<64x128xbf16>, vector<128x128xbf16>, vector<64x128xf32> -> vector<64x128xf32>
      %add3A_113 = arith.addf %add3A_93, %dot_general3A_112 : vector<64x128xf32>
      %get3A_114 = arith.constant 5 : index
      %get3A_115 = arith.constant 0 : index
      %get3A_116 = arith.constant 0 : index
      %get3A_117 = vector.load %arg3[%get3A_114, %get3A_115, %get3A_116] : memref<8x1x128xi32, #tpu.memory_space<vmem>>, vector<1x1x128xi32>
      %get3A_118 = vector.shape_cast %get3A_117 : vector<1x1x128xi32> to vector<1x128xi32>
      %sub3A_119 = vector.broadcast %multiple_of3A : i32 to vector<1x128xi32>
      %sub3A_120 = arith.subi %get3A_118, %sub3A_119 : vector<1x128xi32>
      %iota3A_121 = tpu.iota {dimensions = array<i32: 0>} : vector<64x128xi32>
      %eq3A_122 = vector.broadcast %sub3A_120 : vector<1x128xi32> to vector<64x128xi32>
      %eq3A_123 = arith.cmpi eq, %iota3A_121, %eq3A_122 : vector<64x128xi32>
      %convert_element_type3A_124 = arith.extui %eq3A_123 : vector<64x128xi1> to vector<64x128xi32>
      %convert_element_type3A_125 = arith.sitofp %convert_element_type3A_124 : vector<64x128xi32> to vector<64x128xf32>
      %convert_element_type3A_126 = arith.truncf %convert_element_type3A_125 : vector<64x128xf32> to vector<64x128xbf16>
      %get3A_127 = arith.constant 640 : index
      %get3A_128 = arith.constant 0 : index
      %get3A_129 = vector.load %arg4[%get3A_127, %get3A_128] : memref<1024x128xf32, #tpu.memory_space<vmem>>, vector<128x128xf32>
      %convert_element_type3A_130 = arith.truncf %get3A_129 : vector<128x128xf32> to vector<128x128xbf16>
      %dot_general3A_131 = arith.constant dense<0.000000e+00> : vector<64x128xf32>
      %dot_general3A_132 = tpu.matmul %convert_element_type3A_126, %convert_element_type3A_130, %dot_general3A_131 {dimension_numbers = #tpu.dot_dimension_numbers<[1], [0], [0], [1], [0, 0, 1, 1], [], []>, transpose_lhs_hint = false} : vector<64x128xbf16>, vector<128x128xbf16>, vector<64x128xf32> -> vector<64x128xf32>
      %add3A_133 = arith.addf %add3A_113, %dot_general3A_132 : vector<64x128xf32>
      %get3A_134 = arith.constant 6 : index
      %get3A_135 = arith.constant 0 : index
      %get3A_136 = arith.constant 0 : index
      %get3A_137 = vector.load %arg3[%get3A_134, %get3A_135, %get3A_136] : memref<8x1x128xi32, #tpu.memory_space<vmem>>, vector<1x1x128xi32>
      %get3A_138 = vector.shape_cast %get3A_137 : vector<1x1x128xi32> to vector<1x128xi32>
      %sub3A_139 = vector.broadcast %multiple_of3A : i32 to vector<1x128xi32>
      %sub3A_140 = arith.subi %get3A_138, %sub3A_139 : vector<1x128xi32>
      %iota3A_141 = tpu.iota {dimensions = array<i32: 0>} : vector<64x128xi32>
      %eq3A_142 = vector.broadcast %sub3A_140 : vector<1x128xi32> to vector<64x128xi32>
      %eq3A_143 = arith.cmpi eq, %iota3A_141, %eq3A_142 : vector<64x128xi32>
      %convert_element_type3A_144 = arith.extui %eq3A_143 : vector<64x128xi1> to vector<64x128xi32>
      %convert_element_type3A_145 = arith.sitofp %convert_element_type3A_144 : vector<64x128xi32> to vector<64x128xf32>
      %convert_element_type3A_146 = arith.truncf %convert_element_type3A_145 : vector<64x128xf32> to vector<64x128xbf16>
      %get3A_147 = arith.constant 768 : index
      %get3A_148 = arith.constant 0 : index
      %get3A_149 = vector.load %arg4[%get3A_147, %get3A_148] : memref<1024x128xf32, #tpu.memory_space<vmem>>, vector<128x128xf32>
      %convert_element_type3A_150 = arith.truncf %get3A_149 : vector<128x128xf32> to vector<128x128xbf16>
      %dot_general3A_151 = arith.constant dense<0.000000e+00> : vector<64x128xf32>
      %dot_general3A_152 = tpu.matmul %convert_element_type3A_146, %convert_element_type3A_150, %dot_general3A_151 {dimension_numbers = #tpu.dot_dimension_numbers<[1], [0], [0], [1], [0, 0, 1, 1], [], []>, transpose_lhs_hint = false} : vector<64x128xbf16>, vector<128x128xbf16>, vector<64x128xf32> -> vector<64x128xf32>
      %add3A_153 = arith.addf %add3A_133, %dot_general3A_152 : vector<64x128xf32>
      %get3A_154 = arith.constant 7 : index
      %get3A_155 = arith.constant 0 : index
      %get3A_156 = arith.constant 0 : index
      %get3A_157 = vector.load %arg3[%get3A_154, %get3A_155, %get3A_156] : memref<8x1x128xi32, #tpu.memory_space<vmem>>, vector<1x1x128xi32>
      %get3A_158 = vector.shape_cast %get3A_157 : vector<1x1x128xi32> to vector<1x128xi32>
      %sub3A_159 = vector.broadcast %multiple_of3A : i32 to vector<1x128xi32>
      %sub3A_160 = arith.subi %get3A_158, %sub3A_159 : vector<1x128xi32>
      %iota3A_161 = tpu.iota {dimensions = array<i32: 0>} : vector<64x128xi32>
      %eq3A_162 = vector.broadcast %sub3A_160 : vector<1x128xi32> to vector<64x128xi32>
      %eq3A_163 = arith.cmpi eq, %iota3A_161, %eq3A_162 : vector<64x128xi32>
      %convert_element_type3A_164 = arith.extui %eq3A_163 : vector<64x128xi1> to vector<64x128xi32>
      %convert_element_type3A_165 = arith.sitofp %convert_element_type3A_164 : vector<64x128xi32> to vector<64x128xf32>
      %convert_element_type3A_166 = arith.truncf %convert_element_type3A_165 : vector<64x128xf32> to vector<64x128xbf16>
      %get3A_167 = arith.constant 896 : index
      %get3A_168 = arith.constant 0 : index
      %get3A_169 = vector.load %arg4[%get3A_167, %get3A_168] : memref<1024x128xf32, #tpu.memory_space<vmem>>, vector<128x128xf32>
      %convert_element_type3A_170 = arith.truncf %get3A_169 : vector<128x128xf32> to vector<128x128xbf16>
      %dot_general3A_171 = arith.constant dense<0.000000e+00> : vector<64x128xf32>
      %dot_general3A_172 = tpu.matmul %convert_element_type3A_166, %convert_element_type3A_170, %dot_general3A_171 {dimension_numbers = #tpu.dot_dimension_numbers<[1], [0], [0], [1], [0, 0, 1, 1], [], []>, transpose_lhs_hint = false} : vector<64x128xbf16>, vector<128x128xbf16>, vector<64x128xf32> -> vector<64x128xf32>
      %add3A_173 = arith.addf %add3A_153, %dot_general3A_172 : vector<64x128xf32>
      %get3A_174 = arith.index_cast %multiple_of3A : i32 to index
      %get3A_175 = arith.constant 0 : index
      %get3A_176 = vector.load %arg5[%get3A_174, %get3A_175] : memref<10192x128xf32, #tpu.memory_space<vmem>>, vector<64x128xf32>
      %add3A_177 = arith.addf %get3A_176, %add3A_173 : vector<64x128xf32>
      %swap3A = arith.index_cast %multiple_of3A : i32 to index
      %swap3A_178 = arith.constant 0 : index
      %swap3A_179 = vector.load %arg5[%swap3A, %swap3A_178] : memref<10192x128xf32, #tpu.memory_space<vmem>>, vector<64x128xf32>
      tpu.vector_store %arg5[%swap3A, %swap3A_178], %add3A_177 {strides = array<i32>} : memref<10192x128xf32, #tpu.memory_space<vmem>>, vector<64x128xf32>,
    }
    return
  }
  func.func @transform_0(%arg0: i32) -> i32 {
    %c0_i32 = arith.constant 0 : i32
    %c0_i32_0 = arith.constant 0 : i32
    return %c0_i32 : i32
  }
  func.func @transform_1(%arg0: i32) -> i32 {
    %c0_i32 = arith.constant 0 : i32
    %c0_i32_0 = arith.constant 0 : i32
    return %c0_i32 : i32
  }
  func.func @transform_2(%arg0: i32) -> (i32, i32, i32) {
    %c0_i32 = arith.constant 0 : i32
    %c0_i32_0 = arith.constant 0 : i32
    %c0_i32_1 = arith.constant 0 : i32
    return %arg0, %c0_i32, %c0_i32_0 : i32, i32, i32
  }
  func.func @transform_3(%arg0: i32) -> (i32, i32) {
    %c0_i32 = arith.constant 0 : i32
    %c0_i32_0 = arith.constant 0 : i32
    return %arg0, %c0_i32 : i32, i32
  }
  func.func @transform_4(%arg0: i32) -> (i32, i32) {
    %c0_i32 = arith.constant 0 : i32
    %c0_i32_0 = arith.constant 0 : i32
    %c0_i32_1 = arith.constant 0 : i32
    return %c0_i32, %c0_i32_0 : i32, i32
  }
}

module attributes {stable_mosaic.version = 14 : i64} {
  func.func @_combine_body(%arg0: i32, %arg1: memref<1xf32, #tpu.memory_space<smem>>, %arg2: memref<2x2000x128xf32, #tpu.memory_space<vmem>>, %arg3: memref<2000x128xf32, #tpu.memory_space<vmem>>, %arg4: memref<2000x128xf32, #tpu.memory_space<vmem>>) attributes {dimension_semantics = [#tpu.dimension_semantics<arbitrary>], iteration_bounds = array<i64: 5>, scalar_prefetch = 0 : i64, scratch_operands = 0 : i64, tpu.core_type = #tpu.core_type<tc>, window_params = [{transform_indices = @transform_0, window_bounds = array<i64: 1>}, {transform_indices = @transform_1, window_bounds = array<i64: 2, 2000, 128>}, {transform_indices = @transform_2, window_bounds = array<i64: 2000, 128>}, {transform_indices = @transform_3, window_bounds = array<i64: 2000, 128>}]} {
    %get3A = arith.constant 0 : index
    %get3A_0 = arith.constant 0 : index
    %get3A_1 = arith.constant 0 : index
    %get3A_2 = vector.load %arg2[%get3A, %get3A_0, %get3A_1] : memref<2x2000x128xf32, #tpu.memory_space<vmem>>, vector<1x2000x128xf32>
    %get3A_3 = vector.shape_cast %get3A_2 : vector<1x2000x128xf32> to vector<2000x128xf32>
    %get3A_4 = arith.constant 1 : index
    %get3A_5 = arith.constant 0 : index
    %get3A_6 = arith.constant 0 : index
    %get3A_7 = vector.load %arg2[%get3A_4, %get3A_5, %get3A_6] : memref<2x2000x128xf32, #tpu.memory_space<vmem>>, vector<1x2000x128xf32>
    %get3A_8 = vector.shape_cast %get3A_7 : vector<1x2000x128xf32> to vector<2000x128xf32>
    %add3A = arith.addf %get3A_3, %get3A_8 : vector<2000x128xf32>
    %get3A_9 = arith.constant 0 : index
    %get3A_10 = arith.constant 0 : index
    %get3A_11 = vector.load %arg3[%get3A_9, %get3A_10] : memref<2000x128xf32, #tpu.memory_space<vmem>>, vector<2000x128xf32>
    %add3A_12 = arith.addf %add3A, %get3A_11 : vector<2000x128xf32>
    %get3A_13 = arith.constant 0 : index
    %get3A_14 = memref.load %arg1[%get3A_13] : memref<1xf32, #tpu.memory_space<smem>>
    %mul3A = vector.broadcast %get3A_14 : f32 to vector<2000x128xf32>
    %mul3A_15 = arith.mulf %add3A_12, %mul3A : vector<2000x128xf32>
    %swap3A = arith.constant 0 : index
    %swap3A_16 = arith.constant 0 : index
    %swap3A_17 = vector.load %arg4[%swap3A, %swap3A_16] : memref<2000x128xf32, #tpu.memory_space<vmem>>, vector<2000x128xf32>
    tpu.vector_store %arg4[%swap3A, %swap3A_16], %mul3A_15 {strides = array<i32>} : memref<2000x128xf32, #tpu.memory_space<vmem>>, vector<2000x128xf32>,
    return
  }
  func.func @transform_0(%arg0: i32) -> i32 {
    %c0_i32 = arith.constant 0 : i32
    %c0_i32_0 = arith.constant 0 : i32
    return %c0_i32 : i32
  }
  func.func @transform_1(%arg0: i32) -> (i32, i32, i32) {
    %c0_i32 = arith.constant 0 : i32
    %c0_i32_0 = arith.constant 0 : i32
    %c0_i32_1 = arith.constant 0 : i32
    return %c0_i32, %arg0, %c0_i32_0 : i32, i32, i32
  }
  func.func @transform_2(%arg0: i32) -> (i32, i32) {
    %c0_i32 = arith.constant 0 : i32
    %c0_i32_0 = arith.constant 0 : i32
    return %arg0, %c0_i32 : i32, i32
  }
  func.func @transform_3(%arg0: i32) -> (i32, i32) {
    %c0_i32 = arith.constant 0 : i32
    %c0_i32_0 = arith.constant 0 : i32
    return %arg0, %c0_i32 : i32, i32
  }
}

</mosaic_0001>

<sc_bundles>
// kernel: kernel.5.cloned.1.call-start
scs
__scs_entry_jumppad:
0x0: {  	(pc) =	sbr.rel $0x88, $3  }
0x1: {  	(tag) =	ssettag $0x0;
	lr =	simm.s32 $0x1  }
0x2: {  	[smem:$0x3F9E] =	sst lr;
	_ =	strace $0xD0000000  }
0x3: {  	_ = 	snop  }
0x4: {  	_ = 	snop  }
0x5: {  	_ = 	snop  }
0x6: {  	_ = 	snop  }
0x7: {  	_ = 	snop  }
__scs_overlays_trampoline_lowered:
0x8: {  	[smem:$0x3FAD] =	sst s0  }
0x9: {  	[smem:$0x3FAE] =	sst s1  }
0xa: {  	[smem:$0x3FAF] =	sst s2  }
0xb: {  	[smem:$0x3FB0] =	sst s3  }
0xc: {  	[smem:$0x3FB1] =	sst s4  }
0xd: {  	[smem:$0x3FB2] =	sst s5  }
0xe: {  	[smem:$0x3FB3] =	sst s6  }
0xf: {  	[smem:$0x3FB4] =	sst s7  }
0x10: {  	[smem:$0x3FB5] =	sst s8  }
0x11: {  	[smem:$0x3FB6] =	sst s9;
	s0 =	simm.s32 @!p0 $0x0  }
0x12: {  	s1 =	sld [smem:$0x3F9C];
	s0 =	simm.s32 @p0 $0x1  }
0x13: {  	[smem:$0x3FB7] =	sst s0;
	s0 =	simm.s32 @!p1 $0x0  }
0x14: {  	s2 =	sld [smem:$0x3F9B];
	s0 =	simm.s32 @p1 $0x1  }
0x15: {  	[smem:$0x3FB8] =	sst s0;
	s0 =	simm.s32 @!p2 $0x0  }
0x16: {  	s3 =	sld [smem:$0x3FDB];
	s0 =	simm.s32 @p2 $0x1  }
0x17: {  	s4 =	simm.s32 $0x1BF5;
	[smem:$0x3FBA] =	sst s0  }
0x18: {  	s0 =	sld [smem:$0x3F9D];
	_ =	swait.ge [sflag:s4], $0x0  }
0x19: {  	s7 =	sld [smem:$0x3F9E]  }
0x1a: {  	s8 =	sadd.s32 $0xFFFFE003, lr  }
0x1b: {  	s9 =	sadd.s32 $0xFFFFFEF7, lr;
	s5 =	simm.s32 $0xFFFFFFFF;
	p2 =	slt.u32 s8, $0xFFFFF086  }
0x1c: {  	p1 =	slt.u32 s9, $0xF7A;
	s5 =	simm.s32 @!p2 $0x0  }
0x1d: {  	s5 =	simm.s32 @p1 $0x1;
	p0 =	seq.s32 s7, s2  }
0x1e: {  	s7 =	smul.u32 @!p0 $0xF7A, s2;
	p2 =	seq.s32 @!p0 s5, $0x0  }
0x1f: {  	s9 =	smul.u32 $0xF7A, s1;
	s8 =	simm.s32 @!p0 $0x1BF5;
	p2 =	por !p2, p0  }
0x20: {  	[sflag:s8] =	ssyncset.s32 @!p0 $0xFFFFF086;
	s6 =	sadd.s32 @!p0 s3, s7;
	s7 =	simm.s32 @!p0 $0x108  }
0x21: {  	s3 =	sadd.s32 s3, s9;
	s6 =	sadd.s32 @!p0 $0x88, s6;
	s7 =	simm.s32 @p2 $0x1082  }
0x22: {  	[simem:s7], [sflag:s8] =	dma.local @!p0 [hbm:s6], $0xF7A  }
0x23: {  	s9 =	sor.u32 $0xD0000000, s2;
	s6 =	simm.s32 $0x108;
	_ =	swait.ge @!p0 [sflag:s8], $0x0  }
0x24: {  	s3 =	sadd.s32 $0x88, s3;
	s6 =	simm.s32 @!p1 $0x1082;
	[sflag:s4] =	ssyncset.s32 $0xFFFFF086  }
0x25: {  	[simem:s6], [sflag:s4] =	dma.local [hbm:s3], $0xF7A  }
0x26: {  	[smem:$0x3F9E] =	sst s1;
	(tag) =	ssettag s2;
	_ =	strace s9  }
0x27: {  	s1 =	sld [smem:$0x3FAE]  }
0x28: {  	s2 =	sld [smem:$0x3FAF]  }
0x29: {  	s4 =	sld [smem:$0x3FB1]  }
0x2a: {  	p0 =	seq.s32 s5, $0x0;
	s5 =	sld [smem:$0x3FB2]  }
0x2b: {  	s6 =	sld [smem:$0x3FB3]  }
0x2c: {  	s7 =	sld [smem:$0x3FB4]  }
0x2d: {  	s3 =	simm.s32 $0x108;
	s8 =	sld [smem:$0x3FB5]  }
0x2e: {  	s3 =	simm.s32 @!p0 $0x1082;
	s9 =	sld [smem:$0x3FB6]  }
0x2f: {  	lr =	sadd.s32 s0, s3;
	s0 =	sld [smem:$0x3FAD]  }
0x30: {  	s3 =	sld [smem:$0x3FB0]  }
0x31: {  	[smem:$0x3FB9] =	sst s10  }
0x32: {  	s10 =	sld [smem:$0x3FB7];
	_ =	sdelay $0x3  }
0x33: {  	p0 =	seq.s32 s10, $0x1;
	s10 =	sld [smem:$0x3FB9];
	_ =	sdelay $0x3  }
0x34: {  	[smem:$0x3FB9] =	sst s10  }
0x35: {  	s10 =	sld [smem:$0x3FB8];
	_ =	sdelay $0x3  }
0x36: {  	p1 =	seq.s32 s10, $0x1;
	s10 =	sld [smem:$0x3FB9];
	_ =	sdelay $0x3  }
0x37: {  	[smem:$0x3FB9] =	sst s10  }
0x38: {  	s10 =	sld [smem:$0x3FBA]  }
0x39: {  	_ = 	snop;
	(pc) =	sbr.ind lr, $3  }
0x3a: {  	_ = 	snop  }
0x3b: {  	_ = 	snop  }
0x3c: {  	p2 =	seq.s32 s10, $0x1;
	s10 =	sld [smem:$0x3FB9]  }
0x3d: {  	_ =	shalt  }
0x3e: {  	_ =	shalt  }
0x3f: {  	_ =	shalt  }
0x40: {  	_ =	shalt  }
0x41: {  	_ =	shalt  }
0x42: {  	_ =	shalt  }
0x43: {  	_ =	shalt  }
0x44: {  	_ =	shalt  }
0x45: {  	_ =	shalt  }
0x46: {  	_ =	shalt  }
0x47: {  	_ =	shalt  }
0x48: {  	_ =	shalt  }
0x49: {  	_ =	shalt  }
0x4a: {  	_ =	shalt  }
0x4b: {  	_ =	shalt  }
0x4c: {  	_ =	shalt  }
0x4d: {  	_ =	shalt  }
0x4e: {  	_ =	shalt  }
0x4f: {  	_ =	shalt  }
0x50: {  	_ =	shalt  }
0x51: {  	_ =	shalt  }
0x52: {  	_ =	shalt  }
0x53: {  	_ =	shalt  }
0x54: {  	_ =	shalt  }
0x55: {  	_ =	shalt  }
0x56: {  	_ =	shalt  }
0x57: {  	_ =	shalt  }
0x58: {  	_ =	shalt  }
0x59: {  	_ =	shalt  }
0x5a: {  	_ =	shalt  }
0x5b: {  	_ =	shalt  }
0x5c: {  	_ =	shalt  }
0x5d: {  	_ =	shalt  }
0x5e: {  	_ =	shalt  }
0x5f: {  	_ =	shalt  }
0x60: {  	_ =	shalt  }
0x61: {  	_ =	shalt  }
0x62: {  	_ =	shalt  }
0x63: {  	_ =	shalt  }
0x64: {  	_ =	shalt  }
0x65: {  	_ =	shalt  }
0x66: {  	_ =	shalt  }
0x67: {  	_ =	shalt  }
0x68: {  	_ =	shalt  }
0x69: {  	_ =	shalt  }
0x6a: {  	_ =	shalt  }
0x6b: {  	_ =	shalt  }
0x6c: {  	_ =	shalt  }
0x6d: {  	_ =	shalt  }
0x6e: {  	_ =	shalt  }
0x6f: {  	_ =	shalt  }
0x70: {  	_ =	shalt  }
0x71: {  	_ =	shalt  }
0x72: {  	_ =	shalt  }
0x73: {  	_ =	shalt  }
0x74: {  	_ =	shalt  }
0x75: {  	_ =	shalt  }
0x76: {  	_ =	shalt  }
0x77: {  	_ =	shalt  }
0x78: {  	_ =	shalt  }
0x79: {  	_ =	shalt  }
0x7a: {  	_ =	shalt  }
0x7b: {  	_ =	shalt  }
0x7c: {  	_ =	shalt  }
0x7d: {  	_ =	shalt  }
0x7e: {  	_ =	shalt  }
0x7f: {  	_ =	shalt  }
0x80: {  	_ =	shalt  }
0x81: {  	_ =	shalt  }
0x82: {  	_ =	shalt  }
0x83: {  	_ =	shalt  }
0x84: {  	_ =	shalt  }
0x85: {  	_ =	shalt  }
0x86: {  	_ =	shalt  }
0x87: {  	_ =	shalt  }
.Lfunc_end0:
.L_simem_size_0:
called_computation_lowered:
.L_overlay_start_0:
0x88: {  	s2 =	sld [smem:$0x3FD9]  }
0x89: {  	s3 =	sld [smem:$0x3FFE];
	_ =	sdelay $0x1  }
0x8a: {  	s1 =	srdreg.scid  }
0x8b: {  	s0 =	sand.u32 $0x1, s1  }
0x8c: {  	s17 =	sshll.u32 s0, $0xA;
	s2 =	sadd.s32 s3, s2  }
0x8d: {  	s2 =	sadd.s32 s2, s17  }
0x8e: {  	[smem:$0x3FC5] =	sst s2  }
0x8f: {  	_ = 	snop  }
0x90: {  	s2 =	sld [smem:$0x3FC9]  }
0x91: {  	s18 =	sld [smem:$0x3FC8]  }
0x92: {  	s4 =	sld [smem:$0x3FD0];
	(tm) =	ssettm $0x1  }
0x93: {  	s5 =	sld [smem:$0x3FFB];
	_ =	sdelay $0x3  }
0x94: {  	_ =	strace s5  }
0x95: {  	s5 =	sld [smem:$0x3FFC];
	_ =	sdelay $0x3  }
0x96: {  	_ =	strace s5  }
0x97: {  	s5 =	sld [smem:$0x3FFD];
	_ =	sdelay $0x3  }
0x98: {  	_ =	strace s5  }
0x99: {  	_ =	strace $0x8FFFFFFF  }
0x9a: {  	s19 =	sld [smem:$0x3FDB];
	_ =	sdelay $0x1  }
0x9b: {  	s6 =	simm.s32 $_scs_section_size  }
0x9c: {  	s7 =	simm.s32 $_size__tile_overlayer_lowered;
	s8 =	simm.s32 $_tile_overlayer_lowered  }
0x9d: {  	s22 =	simm.s32 $0x1BFF;
	s21 =	sshll.u32 s8, $0x1;
	s5 =	sadd.s32 s6, s19  }
0x9e: {  	s9 =	simm.s32 $0x0;
	s20 =	sshll.u32 s7, $0x1;
	s7 =	sadd.s32 s21, s5  }
0x9f: {  	[timem:s9], [sflag:s22] =	dma.local [hbm:s7], s20  }
0xa0: {  	_ =	swait.ge [sflag:s22], s20  }
0xa1: {  	s6 =	ssub.s32 $0x0, s20;
	[sflag:s22] =	ssyncset.done $0x0  }
0xa2: {  	[sflag:s22] =	ssyncadd.s32 s6;
	_ =	sdelay $0x1  }
0xa3: {  	s23 =	simm.s32 $0x1B8B  }
0xa4: {  	_ =	swait.ge [sflag:s23], $0x1  }
0xa5: {  	[sflag:s23] =	ssyncset.done $0x0  }
0xa6: {  	s25 =	simm.s32 $0x1B8E;
	s24 =	sld [smem:$0x3FFE];
	[sflag:s23] =	ssyncadd.s32 $0xFFFFFFFF  }
0xa7: {  	s26 =	simm.s32 $execute0_lowered;
	[smem:$0x3FD2] =	sst s25  }
0xa8: {  	s7 =	sshll.u32 s26, $0x1;
	_ =	strace $0x80000046;
	[dreg:$0x1] =	wrdreg $0xFFFFFFFF  }
0xa9: {  	s28 =	simm.s32 $_size_execute0_lowered;
	s5 =	sadd.s32 s5, s7;
	[dreg:$0x0] =	wrdreg $0x0  }
0xaa: {  	s7 =	sshll.u32 s28, $0x1;
	[dreg:$0x2] =	wrdreg s5  }
0xab: {  	[dreg:$0x3] =	wrdreg s7  }
0xac: {  	[dreg:$0x4] =	wrdreg $0xC0  }
0xad: {  	_ =	task [dreg:s9], $0x5FFFF  }
0xae: {  	[dreg:$0x1] =	wrdreg $0xFFFFFFFF  }
0xaf: {  	[dreg:$0x0] =	wrdreg $0x60  }
0xb0: {  	[dreg:$0x2] =	wrdreg s2  }
0xb1: {  	[dreg:$0x3] =	wrdreg s18  }
0xb2: {  	[dreg:$0x4] =	wrdreg s4  }
0xb3: {  	[dreg:$0x5] =	wrdreg s24  }
0xb4: {  	[dreg:$0x6] =	wrdreg $0xC2000  }
0xb5: {  	[dreg:$0x7] =	wrdreg $0x9  }
0xb6: {  	_ =	task.clear_ibuf [dreg:s9], $0x8FFFF;
	_ =	strace $0x90000046  }
0xb7: {  	s29 =	simm.s32 $0x9;
	_ =	strace $0x80000048  }
0xb8: {  	_ =	swait.ge [sflag:s29], $0x1  }
0xb9: {  	[sflag:s29] =	ssyncadd.s32 $0xFFFFFFFF  }
0xba: {  	_ =	strace $0x90000048  }
0xbb: {  	_ =	sfence  }
0xbc: {  	s30 =	sld [smem:$0x0];
	_ =	sdelay $0x2  }
0xbd: {  	s31 =	sshll.u32 s1, $0xD;
	s1 =	sshrl.u32 s1, $0x2  }
0xbe: {  	s3 =	sand.u32 $0x4000, s31;
	s1 =	sadd.s32 s1, s30  }
0xbf: {  	s0 =	sor.u32 s3, s0;
	s1 =	sshll.u32 s1, $0x11  }
0xc0: {  	s0 =	sor.u32 s1, s0  }
0xc1: {  	s0 =	sadd.s32 $0x8F2B, s0  }
0xc2: {  	[sflag:s0] =	ssyncadd.remote.s32 $0x1  }
0xc3: {  	_ =	sfence.sel $0xFFFF  }
0xc4: {  	[dreg:$0x0] =	wrdreg $0xFFFFFFFF;
	(pc) =	sbr.abs _section_cstart, $3  }
0xc5: {  	[dreg:$0x1] =	wrdreg $0xFFFFFFFF  }
0xc6: {  	_ =	task.clear_ibuf [dreg:s9], $0x2FFFF;
	_ =	strace $0x9FFFFFFF  }
0xc7: {  	(tm) =	ssettm $0x7FFFFFFF  }
tec
execute0_lowered:
.L_overlay_start_1:
0x0: {  	(tag) =	ssettag $0x1  }
0x1: {  	s2 =	rddreg [dreg:$0x0]  }
0x2: {  	s0 =	rddreg [dreg:$0x1]  }
0x3: {  	s4 =	rddreg [dreg:$0x2]  }
0x4: {  	s5 =	rddreg [dreg:$0x3]  }
0x5: {  	s1 =	rddreg [dreg:$0x4]  }
0x6: {  	s3 =	srdreg.scid;
	s14 =	stileid.u32;
	s28 =	simm.s32 $0x80  }
0x7: {  	s6 =	sand.u32 $0x1, s3;
	s3 =	simm.s32 $0x0;
	s8 =	smul.u32 $0x38, s14  }
0x8: {  	s24 =	smin.u32 s14, $0x2;
	s5 =	sadd.s32 $0xA00, s5;
	s31 =	smul.u32 $0x4E000, s14  }
0x9: {  	p0 =	slt.u32 s14, $0x2;
	s17 =	smul.u32 $0x13800, s14;
	s20 =	sshll.u32 s14, $0x6  }
0xa: {  	s21 =	sadd.s32 $0x138000, s1;
	s7 =	smul.u32 $0x382, s6;
	[smem:$0x7FF] =	sst s3  }
0xb: {  	s9 =	ssub.s32 $0x2, s6;
	s6 =	smul.u32 $0x138800, s6;
	_ =	strace $0x80000047  }
0xc: {  	s10 =	sshrl.u32 s9, $0x1;
	s16 =	sshrl.u32 s31, $0x2;
	s19 =	sshrl.u32 s17, $0x3  }
0xd: {  	[dreg:$0xe] =	wrdreg s21;
	s7 =	sadd.s32 s8, s7;
	s8 =	simm.s32 $0x39  }
0xe: {  	s9 =	ssub.s32 s9, s10;
	s18 =	sadd.s32 s16, s1;
	s22 =	sadd.s32 s17, s6  }
0xf: {  	s6 =	sshrl.u32 s6, $0x3;
	s7 =	sadd.s32 s24, s7;
	s8 =	simm.s32 @!p0 $0x38  }
0x10: {  	[dreg:$0xc] =	wrdreg s18;
	s23 =	sadd.s32 s5, s6;
	s11 =	sadd.s32 $0x2C0, s7  }
0x11: {  	s24 =	sshll.u32 s7, $0xB;
	s25 =	sshll.u32 s11, $0x7;
	s12 =	sshll.u32 s11, $0x4  }
0x12: {  	s11 =	sshll.u32 s11, $0xB;
	s13 =	sadd.s32 $0x80, s25;
	s12 =	sadd.s32 s0, s12  }
0x13: {  	s11 =	sadd.s32 s2, s11;
	s10 =	sadd.s32 $0x100, s25;
	[dreg:$0x6] =	wrdreg s12  }
0x14: {  	s25 =	sshll.u32 s7, $0x4;
	[dreg:$0x7] =	wrdreg s11;
	s26 =	sshrl.u32 s13, $0x3  }
0x15: {  	s29 =	sshll.u32 s13, $0x4;
	s15 =	sshrl.u32 s10, $0x3;
	s11 =	sadd.s32 s0, s26  }
0x16: {  	s10 =	sshll.u32 s10, $0x4;
	s12 =	sadd.s32 s2, s29;
	[dreg:$0x8] =	wrdreg s11  }
0x17: {  	s10 =	sadd.s32 s2, s10;
	s2 =	sadd.s32 s2, s24;
	[dreg:$0x9] =	wrdreg s12  }
0x18: {  	s26 =	smax.u32 s9, $0x1;
	s11 =	sadd.s32 s0, s15;
	[dreg:$0xb] =	wrdreg s10  }
0x19: {  	s10 =	sadd.s32 s4, s19;
	s12 =	sor.u32 $0x1C07, s20;
	[dreg:$0x12] =	wrdreg s26  }
0x1a: {  	s4 =	sadd.s32 $0x27000, s4;
	s15 =	simm.s32 $0x36;
	[dreg:$0xa] =	wrdreg s11  }
0x1b: {  	s16 =	sadd.s32 $0x161800, s2;
	s0 =	sadd.s32 s0, s25;
	[dreg:$0xd] =	wrdreg s10  }
0x1c: {  	s2 =	simm.s32 $0x0;
	[dreg:$0xf] =	wrdreg s4;
	s15 =	simm.s32 @!p0 $0x35  }
0x1d: {  	s4 =	sshrl.u32 s22, $0x3;
	s30 =	sadd.s32 $0x2C30, s0;
	p0 =	sne.s32 s14, $0xF  }
0x1e: {  	s0 =	simm.s32 $0x7;
	s4 =	sadd.s32 s5, s4;
	s29 =	ssub.s32 s8, s15  }
0x1f: {  	s22 =	sadd.s32 $0x1, s15;
	s24 =	sshll.u32 s15, $0x7;
	[dreg:$0x10] =	wrdreg s4  }
0x20: {  	s31 =	sshll.u32 s15, $0xE;
	s4 =	sadd.s32 $0x27000, s23;
	[dreg:$0x13] =	wrdreg s29  }
0x21: {  	s23 =	sadd.s32 $0x4, s15;
	s25 =	sor.u32 $0x200, s31;
	[dreg:$0x11] =	wrdreg s4  }
.LBB2_1:
0x22: {  	s4 =	rddreg [dreg:$0x6]  }
0x23: {  	s9 =	rddreg [dreg:$0x7]  }
0x24: {  	s10 =	rddreg [dreg:$0x8]  }
0x25: {  	[tilespmem:s3], [sflag:$0x1] =	stream.linear.gather [hbm4b:s4+s3], $0x80, $0x38;
	[tilespmem:$0x1FA80] =	vst v63  }
0x26: {  	s5 =	simm.s32 $0x200;
	s11 =	rddreg [dreg:$0x9]  }
0x27: {  	[tilespmem:s5], [sflag:$0x4] =	stream.linear.gather [hbm4b:s9+s3], $0x4000, $0x38;
	[tilespmem:$0x1FA80] =	vst v63  }
0x28: {  	s14 =	rddreg [dreg:$0xa]  }
0x29: {  	[tilespmem:s28], [sflag:$0x2] =	stream.linear.gather [hbm4b:s10+s3], $0x80, $0x38;
	[tilespmem:$0x1FA80] =	vst v63  }
0x2a: {  	s13 =	simm.s32 $0x4200;
	s18 =	rddreg [dreg:$0xb]  }
0x2b: {  	[tilespmem:s13], [sflag:$0x5] =	stream.linear.gather [hbm4b:s11+s3], $0x4000, $0x38;
	[tilespmem:$0x1FA80] =	vst v63  }
0x2c: {  	s17 =	simm.s32 $0x100;
	s20 =	rddreg [dreg:$0xc]  }
0x2d: {  	[tilespmem:s17], [sflag:$0x3] =	stream.linear.gather [hbm4b:s14+s3], $0x80, $0x38;
	[tilespmem:$0x1FA80] =	vst v63  }
0x2e: {  	s19 =	simm.s32 $0x8200;
	s21 =	rddreg [dreg:$0xd];
	s26 =	sshrl.u32 s20, $0x3  }
0x2f: {  	[tilespmem:s19], [sflag:$0x6] =	stream.linear.gather [hbm4b:s18+s3], $0x4000, $0x38;
	[tilespmem:$0x1FA80] =	vst v63  }
0x30: {  	[spmem:s26], [sflag:s12] =	dma.local [hbm:s21], $0x2700  }
0x31: {  	_ =	swait.ge [sflag:s0], $0x2700  }
0x32: {  	[sflag:s0] =	ssyncset.done $0x0;
	s4 =	rddreg [dreg:$0xe]  }
0x33: {  	[sflag:s0] =	ssyncadd.s32 $0xFFFFD900;
	s29 =	sshrl.u32 @!p0 s4, $0x3;
	s4 =	rddreg [dreg:$0xf]  }
0x34: {  	[spmem:s29], [sflag:s12] =	dma.local @!p0 [hbm:s4], $0x100  }
0x35: {  	s31 =	smulhi.u32 $0xAAAAAAAB, s3;
	p2 =	sne.s32 s15, $0x1;
	s4 =	simm.s32 @!p0 $0x7  }
.Ltmp0:
0x36: {  	_ =	swait.ge @!p0 [sflag:s4], $0x100;
	(pc) =	sbr.rel @!p2 .LBB2_2-.Ltmp0, $4  }
0x37: {  	s10 =	sshrl.u32 s31, $0x1;
	[sflag:s4] =	ssyncset.done @!p0 $0x0  }
0x38: {  	s7 =	simm.s32 $0x1;
	s6 =	smul.u32 $0xFFFFFFF4, s10;
	[sflag:s4] =	ssyncadd.s32 @!p0 $0xFFFFFF00  }
0x39: {  	p1 =	por $0x0, $0x0;
	s5 =	sadd.s32 $0xFFFFFFFF, s15;
	[bflag:$0x0] =	sbarrier.arrive $0xFFFF  }
0x3a: {  	s14 =	sshra.s32 s6, $0x2;
	s17 =	smul.u32 $0xFFFFFA00, s10;
	s4 =	simm.s32 $0x4  }
0x3b: {  	s4 =	sadd.s32 $0x1, s14;
	s8 =	smul.u32 $0xFFFD0000, s10;
	s6 =	sadd.s32 $0x4, s14  }
0x3c: {  	p3 =	sne.s32 s5, $0x1;
	s9 =	simm.s32 $0x1;
	_ =	swait.ge [sflag:s4], $0x80  }
0x3d: {  	s11 =	sadd.s32 $0xFFFFFFFF, s5;
	s20 =	sadd.s32 $0x10, s30;
	[sflag:s4] =	ssyncset.done $0x0  }
0x3e: {  	s19 =	sadd.s32 $0x800, s16;
	s5 =	simm.s32 $0x4200;
	[sflag:s4] =	ssyncadd.s32 $0xFFFFFF80  }
0x3f: {  	p2 =	por $0x1, $0x1;
	s7 =	sshra.s32 s17, $0x2;
	_ =	swait.ge [sflag:s6], $0x4000  }
0x40: {  	s18 =	smulhi.u32 $0xAAAAAAAB, s9;
	s8 =	sshra.s32 s8, $0x2;
	[sflag:s6] =	ssyncset.done $0x0  }
0x41: {  	s7 =	sadd.s32 $0x0, s7;
	s13 =	sadd.s32 $0x200, s8;
	[sflag:s6] =	ssyncadd.s32 $0xFFFFC000  }
0x42: {  	[spmem:s1] =	stream.indirect.scatter.add.f32 [tilespmem:s13], [sflag:$0x7], $0x80, s7, s28, $0xb8;
	[tilespmem:$0x1FA80] =	vst v63  }
.Ltmp1:
0x43: {  	s10 =	sshrl.u32 s18, $0x1;
	_ =	swait.ge [sflag:s0], $0x4000;
	(pc) =	sbr.rel @!p3 .LBB2_4-.Ltmp1, $4  }
0x44: {  	s31 =	smov.u32 s16;
	s21 =	smul.u32 $0xFFFFFFF4, s10;
	[sflag:s0] =	ssyncset.done $0x0  }
0x45: {  	s8 =	simm.s32 $0x80;
	s17 =	smul.u32 $0xFFFFFA00, s10;
	[sflag:s0] =	ssyncadd.s32 $0xFFFFC000  }
0x46: {  	[tilespmem:s7], [sflag:s4] =	stream.linear.gather [hbm4b:s30+s3], $0x80, $0x38;
	[tilespmem:$0x1FA80] =	vst v63  }
0x47: {  	s14 =	sshra.s32 s21, $0x2;
	s4 =	simm.s32 $0x5;
	s7 =	simm.s32 $0x2  }
.LBB2_5:
0x48: {  	[tilespmem:s13], [sflag:s6] =	stream.linear.gather [hbm4b:s31+s3], $0x4000, $0x38;
	[tilespmem:$0x1FA80] =	vst v63  }
0x49: {  	s18 =	sadd.s32 s14, s7;
	s6 =	smul.u32 $0xFFFD0000, s10;
	s13 =	sshra.s32 s17, $0x2  }
0x4a: {  	p3 =	sne.s32 s11, $0x1;
	s11 =	sadd.s32 $0xFFFFFFFF, s11;
	_ =	swait.ge [sflag:s18], $0x80  }
0x4b: {  	s17 =	smov.u32 s20;
	s10 =	sshra.s32 s6, $0x2;
	[sflag:s18] =	ssyncset.done $0x0  }
0x4c: {  	s31 =	smov.u32 s19;
	s6 =	sadd.s32 s14, s4;
	[sflag:s18] =	ssyncadd.s32 $0xFFFFFF80  }
0x4d: {  	s9 =	sadd.s32 $0x1, s9;
	s20 =	sadd.s32 $0x10, s20;
	_ =	swait.ge [sflag:s6], $0x4000  }
0x4e: {  	s19 =	sadd.s32 $0x800, s19;
	s14 =	smulhi.u32 $0xAAAAAAAB, s9;
	[sflag:s6] =	ssyncset.done $0x0  }
0x4f: {  	s21 =	sadd.s32 s13, s8;
	s13 =	sadd.s32 s10, s5;
	[sflag:s6] =	ssyncadd.s32 $0xFFFFC000  }
0x50: {  	[spmem:s1] =	stream.indirect.scatter.add.f32 [tilespmem:s13], [sflag:$0x7], $0x80, s21, s28, $0xb8;
	[tilespmem:$0x1FA80] =	vst v63  }
.Ltmp2:
0x51: {  	s5 =	sadd.s32 $0x4000, s5;
	_ =	swait.ge [sflag:s0], $0x4000;
	(pc) =	sbr.rel @p3 .LBB2_5-.Ltmp2, $4  }
0x52: {  	s8 =	sadd.s32 $0x80, s8;
	s10 =	sshrl.u32 s14, $0x1;
	[sflag:s0] =	ssyncset.done $0x0  }
0x53: {  	s4 =	sadd.s32 $0x1, s4;
	s14 =	smul.u32 $0xFFFFFFF4, s10;
	[sflag:s0] =	ssyncadd.s32 $0xFFFFC000  }
0x54: {  	[tilespmem:s21], [sflag:s18] =	stream.linear.gather [hbm4b:s17+s3], $0x80, $0x38;
	[tilespmem:$0x1FA80] =	vst v63  }
0x55: {  	s7 =	sadd.s32 $0x1, s7;
	s14 =	sshra.s32 s14, $0x2;
	s17 =	smul.u32 $0xFFFFFA00, s10  }
.LBB2_6:
0x56: {  	[tilespmem:s13], [sflag:s6] =	stream.linear.gather @p2 [hbm4b:s31+s3], $0x4000, $0x38;
	[tilespmem:$0x1FA80] =	vst v63  }
0x57: {  	s13 =	sadd.s32 s14, s7  }
0x58: {  	_ =	swait.ge [sflag:s13], $0x80  }
0x59: {  	[sflag:s13] =	ssyncset.done $0x0  }
0x5a: {  	s18 =	smul.u32 $0xFFFD0000, s10;
	s4 =	sadd.s32 s14, s4;
	[sflag:s13] =	ssyncadd.s32 $0xFFFFFF80  }
0x5b: {  	_ =	swait.ge [sflag:s4], $0x4000  }
0x5c: {  	s9 =	sshra.s32 s17, $0x2;
	s7 =	sshra.s32 s18, $0x2;
	[sflag:s4] =	ssyncset.done $0x0  }
0x5d: {  	s8 =	sadd.s32 s9, s8;
	s5 =	sadd.s32 s7, s5;
	[sflag:s4] =	ssyncadd.s32 $0xFFFFC000  }
0x5e: {  	[spmem:s1] =	stream.indirect.scatter.add.f32 [tilespmem:s5], [sflag:$0x7], $0x80, s8, s28, $0xb8;
	[tilespmem:$0x1FA80] =	vst v63  }
0x5f: {  	_ =	swait.ge [sflag:s0], $0x4000  }
0x60: {  	[sflag:s0] =	ssyncset.done $0x0  }
0x61: {  	s31 =	rddreg [dreg:$0x13];
	[sflag:s0] =	ssyncadd.s32 $0xFFFFC000  }
0x62: {  	[tilespmem:s8], [sflag:s13] =	stream.linear.gather [hbm4b:s20+s3], $0x80, $0x38;
	[tilespmem:$0x1FA80] =	vst v63  }
0x63: {  	p2 =	sne.s32 s31, $0x1;
	s20 =	smulhi.u32 $0xAAAAAAAB, s15  }
.Ltmp3:
0x64: {  	_ = 	snop;
	(pc) =	sbr.rel @!p2 .LBB2_7-.Ltmp3, $4  }
0x65: {  	s9 =	sshrl.u32 s20, $0x1  }
0x66: {  	s21 =	smul.u32 $0xFFFFFFF4, s9  }
0x67: {  	[tilespmem:s5], [sflag:s4] =	stream.linear.gather [hbm4b:s19+s3], $0x4000, $0x38;
	[tilespmem:$0x1FA80] =	vst v63  }
0x68: {  	s4 =	sadd.s32 $0xFFFFFFFF, s31;
	s13 =	smul.u32 $0xFFFFFA00, s9;
	s8 =	sshra.s32 s21, $0x2  }
0x69: {  	s5 =	smul.u32 $0xFFFD0000, s9  }
0x6a: {  	s6 =	sadd.s32 s8, s22;
	p2 =	sne.s32 s4, $0x1;
	s19 =	sadd.s32 s8, s23  }
0x6b: {  	s20 =	smulhi.u32 $0xAAAAAAAB, s22;
	s7 =	sadd.s32 $0xFFFFFFFF, s4;
	s4 =	sadd.s32 $0x4000, s25  }
0x6c: {  	p1 =	por $0x1, $0x1;
	s11 =	smov.u32 s22;
	_ =	swait.ge [sflag:s6], $0x80  }
0x6d: {  	s10 =	sshra.s32 s13, $0x2;
	s5 =	sshra.s32 s5, $0x2;
	[sflag:s6] =	ssyncset.done $0x0  }
0x6e: {  	s9 =	sshrl.u32 s20, $0x1;
	s21 =	sadd.s32 s10, s24;
	[sflag:s6] =	ssyncadd.s32 $0xFFFFFF80  }
.Ltmp4:
0x6f: {  	s10 =	smov.u32 s22;
	_ =	swait.ge [sflag:s19], $0x4000;
	(pc) =	sbr.rel @!p2 .LBB2_9-.Ltmp4, $4  }
0x70: {  	s5 =	sadd.s32 s5, s25;
	s31 =	smul.u32 $0xFFFFFFF4, s9;
	[sflag:s19] =	ssyncset.done $0x0  }
0x71: {  	s6 =	sadd.s32 $0x1, s23;
	s13 =	smul.u32 $0xFFFFFA00, s9;
	[sflag:s19] =	ssyncadd.s32 $0xFFFFC000  }
0x72: {  	[spmem:s1] =	stream.indirect.scatter.add.f32 [tilespmem:s5], [sflag:$0x7], $0x80, s21, s28, $0xb8;
	[tilespmem:$0x1FA80] =	vst v63  }
0x73: {  	s8 =	sshra.s32 s31, $0x2;
	s5 =	sadd.s32 $0x80, s24;
	_ =	swait.ge [sflag:s0], $0x4000  }
.LBB2_10:
0x74: {  	s9 =	smul.u32 $0xFFFD0000, s9;
	[sflag:s0] =	ssyncset.done $0x0;
	s10 =	sadd.s32 $0x1, s10  }
0x75: {  	s14 =	sadd.s32 s8, s10;
	s13 =	sshra.s32 s13, $0x2;
	[sflag:s0] =	ssyncadd.s32 $0xFFFFC000  }
0x76: {  	p2 =	sne.s32 s7, $0x1;
	s9 =	sshra.s32 s9, $0x2;
	_ =	swait.ge [sflag:s14], $0x80  }
0x77: {  	s7 =	sadd.s32 $0xFFFFFFFF, s7;
	s17 =	smov.u32 s4;
	[sflag:s14] =	ssyncset.done $0x0  }
0x78: {  	s11 =	sadd.s32 $0x1, s11;
	s8 =	sadd.s32 s8, s6;
	[sflag:s14] =	ssyncadd.s32 $0xFFFFFF80  }
0x79: {  	s4 =	sadd.s32 $0x4000, s4;
	s14 =	smulhi.u32 $0xAAAAAAAB, s11;
	_ =	swait.ge [sflag:s8], $0x4000  }
.Ltmp5:
0x7a: {  	s17 =	sadd.s32 s9, s17;
	[sflag:s8] =	ssyncset.done $0x0;
	(pc) =	sbr.rel @p2 .LBB2_10-.Ltmp5, $4  }
0x7b: {  	s13 =	sadd.s32 s13, s5;
	s9 =	sshrl.u32 s14, $0x1;
	[sflag:s8] =	ssyncadd.s32 $0xFFFFC000  }
0x7c: {  	s6 =	sadd.s32 $0x1, s6;
	s5 =	sadd.s32 $0x80, s5;
	s8 =	smul.u32 $0xFFFFFFF4, s9  }
0x7d: {  	[spmem:s1] =	stream.indirect.scatter.add.f32 [tilespmem:s17], [sflag:$0x7], $0x80, s13, s28, $0xb8;
	[tilespmem:$0x1FA80] =	vst v63  }
0x7e: {  	s8 =	sshra.s32 s8, $0x2;
	s13 =	smul.u32 $0xFFFFFA00, s9;
	_ =	swait.ge [sflag:s0], $0x4000  }
.LBB2_11:
0x7f: {  	s7 =	sadd.s32 @p1 $0x1, s10;
	s10 =	smov.u32 s22  }
0x80: {  	[sflag:s0] =	ssyncset.done @p1 $0x0;
	s10 =	smov.u32 @p1 s7  }
0x81: {  	[sflag:s0] =	ssyncadd.s32 @p1 $0xFFFFC000;
	s7 =	sadd.s32 s8, s10  }
0x82: {  	_ =	swait.ge [sflag:s7], $0x80  }
0x83: {  	[sflag:s7] =	ssyncset.done $0x0  }
0x84: {  	s9 =	smul.u32 $0xFFFD0000, s9;
	s6 =	sadd.s32 s8, s6;
	[sflag:s7] =	ssyncadd.s32 $0xFFFFFF80  }
0x85: {  	_ =	swait.ge [sflag:s6], $0x4000  }
0x86: {  	s19 =	sshra.s32 s13, $0x2;
	s20 =	sshra.s32 s9, $0x2;
	[sflag:s6] =	ssyncset.done $0x0  }
0x87: {  	s5 =	sadd.s32 s19, s5;
	s4 =	sadd.s32 s20, s4;
	[sflag:s6] =	ssyncadd.s32 $0xFFFFC000  }
0x88: {  	[spmem:s1] =	stream.indirect.scatter.add.f32 [tilespmem:s4], [sflag:$0x7], $0x80, s5, s28, $0xb8;
	[tilespmem:$0x1FA80] =	vst v63  }
0x89: {  	_ =	swait.ge [sflag:s0], $0x4000  }
0x8a: {  	[sflag:s0] =	ssyncset.done $0x0  }
0x8b: {  	[sflag:s0] =	ssyncadd.s32 $0xFFFFC000  }
0x8c: {  	[bflag:$0x0] =	sbarrier.arrive $0xFFFF  }
0x8d: {  	s21 =	rddreg [dreg:$0x10]  }
0x8e: {  	[hbm:s21], [sflag:s12] =	dma.local [spmem:s26], $0x2700  }
0x8f: {  	_ =	swait.ge [sflag:s0], $0x2700  }
0x90: {  	[sflag:s0] =	ssyncset.done $0x0  }
0x91: {  	s4 =	rddreg [dreg:$0x11];
	[sflag:s0] =	ssyncadd.s32 $0xFFFFD900  }
0x92: {  	[hbm:s4], [sflag:s12] =	dma.local @!p0 [spmem:s29], $0x100  }
0x93: {  	s4 =	simm.s32 @!p0 $0x7  }
0x94: {  	_ =	swait.ge @!p0 [sflag:s4], $0x100  }
0x95: {  	s2 =	sadd.s32 $0x1, s2;
	s31 =	rddreg [dreg:$0x12]  }
0x96: {  	p1 =	sne.s32 s2, s31  }
.Ltmp6:
0x97: {  	_ = 	snop;
	(pc) =	sbr.rel @p1 .LBB2_1-.Ltmp6, $4  }
.Ltmp7:
0x98: {  	_ = 	snop;
	(pc) =	sbr.rel @!p1 .LBB2_12-.Ltmp7, $4  }
0x99: {  	_ = 	snop  }
0x9a: {  	[sflag:s4] =	ssyncset.done @!p0 $0x0  }
0x9b: {  	[sflag:s4] =	ssyncadd.s32 @!p0 $0xFFFFFF00  }
0x9c: {  	_ = 	snop  }
.LBB2_2:
.Ltmp8:
0x9d: {  	(pc) =	sbr.rel .LBB2_6-.Ltmp8, $3  }
0x9e: {  	_ =	sdelay $0x1  }
0x9f: {  	s20 =	smov.u32 s30;
	s19 =	smov.u32 s16  }
0xa0: {  	s8 =	simm.s32 $0x0;
	s5 =	simm.s32 $0x200;
	p2 =	por $0x0, $0x0  }
.LBB2_7:
.Ltmp9:
0xa1: {  	(pc) =	sbr.rel .LBB2_11-.Ltmp9, $3  }
0xa2: {  	_ =	sdelay $0x1  }
0xa3: {  	s10 =	smov.u32 s22  }
0xa4: {  	s4 =	smov.u32 s25;
	s6 =	smov.u32 s23;
	s5 =	smov.u32 s24  }
.LBB2_4:
.Ltmp10:
0xa5: {  	(pc) =	sbr.rel .LBB2_6-.Ltmp10, $2  }
0xa6: {  	_ =	sdelay $0x2  }
0xa7: {  	s31 =	smov.u32 s16  }
.LBB2_9:
.Ltmp11:
0xa8: {  	(pc) =	sbr.rel .LBB2_11-.Ltmp11, $2  }
0xa9: {  	_ =	sdelay $0x2  }
0xaa: {  	s10 =	smov.u32 s22  }
.LBB2_12:
0xab: {  	_ =	sfence.sel $0x180000  }
0xac: {  	[bflag:$0x0] =	sbarrier.arrive $0xFFFF  }
0xad: {  	_ =	strace $0x90000047  }
0xae: {  	s0 =	stileid.u32;
	[bflag:$0x2] =	sbarrier.arrive $0xFFFF  }
0xaf: {  	p0 =	sne.s32 s0, $0x0;
	s0 =	rddreg [dreg:$0x5]  }
0xb0: {  	s0 =	sadd.s32 @!p0 $0x100000, s0  }
0xb1: {  	[sflag:s0] =	ssyncadd.tile.s32 @!p0 $0x1;
	_ =	shalt  }
.Lfunc_end2:
_tile_overlayer_lowered:
.L_overlay_start_2:
0xb2: {  	(tag) =	ssettag $0x2  }
0xb3: {  	s0 =	rddreg [dreg:$0x0];
	s2 =	stileid.u32  }
0xb4: {  	s1 =	rddreg [dreg:$0x1];
	p0 =	sne.s32 s2, $0x0  }
0xb5: {  	s3 =	rddreg [dreg:$0x2];
	[bflag:$0x3] =	sbarrier.arrive $0xFFFF;
	s2 =	simm.s32 @!p0 $0x1C07  }
0xb6: {  	[timem:s3], [sflag:s2] =	dma.local @!p0 [hbm:s0], s1  }
0xb7: {  	s0 =	simm.s32 @!p0 $0x7  }
0xb8: {  	_ =	swait.ge @!p0 [sflag:s0], s1  }
0xb9: {  	s1 =	ssub.s32 @!p0 $0x0, s1;
	[sflag:s0] =	ssyncset.done @!p0 $0x0  }
0xba: {  	[sflag:s0] =	ssyncadd.s32 @!p0 s1  }
0xbb: {  	[bflag:$0x3] =	sbarrier.arrive $0xFFFF  }
0xbc: {  	_ =	shalt  }

</sc_bundles>
